<compile_context>
chip_gen: v7x
topology: tpu7x:2x2x1
jax: 0.10.2.dev20260603
libtpu: 0.0.44.dev20260713+nightly
codegen_flags: <defaults>
</compile_context>

<pallas_src>
import functools

import jax
import jax.numpy as jnp
from jax import lax
from jax.experimental import pallas as pl
from jax.experimental.pallas import tpu as pltpu
from jax.experimental.pallas import tpu_sc as plsc

NUM_LATENTS = 1000000
Z_DIM = 64
BATCH = 16384

NC, NS = 2, 16
NW = NC * NS
B_PER_W = BATCH // NW
BLK = 16
NBLK = B_PER_W // BLK
NSEM = 4
DEPTH = 4


def _gather_kernel(zr_hbm, idx_hbm, out_hbm, idx_v, sems):
    wid = lax.axis_index("s") * NC + lax.axis_index("c")
    base = wid * B_PER_W
    pltpu.sync_copy(idx_hbm.at[pl.ds(base, B_PER_W)], idx_v)

    def body(b, carry):
        v = idx_v[pl.ds(b * BLK, BLK)]
        for j in range(BLK):
            c = v[j]
            pltpu.async_copy(
                zr_hbm.at[c], out_hbm.at[base + b * BLK + j], sems.at[j % NSEM]
            )

        @pl.when(b >= DEPTH)
        def _drain_block():
            for s in range(NSEM):
                pltpu.make_async_copy(
                    zr_hbm.at[pl.ds(0, BLK // NSEM)],
                    out_hbm.at[
                        pl.ds(base + (b - DEPTH) * BLK + s * (BLK // NSEM),
                              BLK // NSEM)
                    ],
                    sems.at[s],
                ).wait()

        return carry

    lax.fori_loop(0, NBLK, body, 0)
    for s in range(NSEM):
        pltpu.make_async_copy(
            zr_hbm.at[pl.ds(0, DEPTH * BLK // NSEM)],
            out_hbm.at[pl.ds(base + (NBLK - DEPTH) * BLK
                             + s * (DEPTH * BLK // NSEM),
                             DEPTH * BLK // NSEM)],
            sems.at[s],
        ).wait()


@jax.jit
def kernel(Z, indices):
    idx = indices.astype(jnp.int32)
    mesh = plsc.VectorSubcoreMesh(
        core_axis_name="c", subcore_axis_name="s",
        num_cores=NC, num_subcores=NS,
    )
    run = pl.kernel(
        _gather_kernel,
        out_type=jax.ShapeDtypeStruct((BATCH, Z_DIM), jnp.float32),
        mesh=mesh,
        scratch_types=[
            pltpu.VMEM((B_PER_W,), jnp.int32),
            pltpu.SemaphoreType.DMA((NSEM,)),
        ],
    )
    return run(Z, idx)

# --- scband reference (transcript-rebuilt; emitter-appended) ---
"""Pipeline reference for scband-latent-variables-70695161692201 (READ-ONLY COPY).

The authoritative reference and input builder live on the scoring server;
editing this copy changes nothing except your own understanding.
"""

import jax, jax.numpy as jnp
import numpy as np

NUM_LATENTS = 1000000
Z_DIM = 64
BATCH = 16384

def setup_inputs(seed: int = 0) -> dict:
    key = jax.random.key(seed)
    k_z, k_idx = jax.random.split(key)
    # Z is the learned latent-variable table (would be PCA-initialized in the original code)
    Z = jax.random.normal(k_z, (NUM_LATENTS, Z_DIM), dtype=jnp.float32)
    indices = jax.random.randint(k_idx, (BATCH,), 0, NUM_LATENTS, dtype=jnp.int64)
    return {"Z": Z, "indices": indices}

def reference(Z, indices):
    # forward: self.Z[indices] -- a plain row gather from the latent table
    return jnp.take(Z, indices, axis=0)

if __name__ == "__main__":
    import jax
    _d = setup_inputs()
    print(jax.jit(kernel)(*tuple(_d.values())))

</pallas_src>

<mosaic_0001>
#map = affine_map<(d0, d1) -> (0, 0)>
#map1 = affine_map<(d0, d1) -> (0)>
module attributes {stable_mosaic.version = 14 : i64} {
  func.func @_gather_kernel(%arg0: i32, %arg1: i32, %arg2: memref<1000000x64xf32, #tpu.memory_space<hbm>>, %arg3: memref<16384xi32, #tpu.memory_space<hbm>>, %arg4: memref<16384x64xf32, #tpu.memory_space<hbm>>, %arg5: memref<512xi32, #tpu.memory_space<vmem>>, %arg6: memref<4x!tpu.dma_semaphore, #tpu.memory_space<semaphore_mem>>) attributes {dimension_semantics = [#tpu.dimension_semantics<core_parallel>, #tpu.dimension_semantics<subcore_parallel>], iteration_bounds = array<i64: 2, 16>, scalar_prefetch = 0 : i64, scratch_operands = 2 : i64, tpu.core_type = #tpu.core_type<sc_vector_subcore>, window_params = [{transform_indices = #map}, {transform_indices = #map1}, {transform_indices = #map}]} {
    %mul3A = arith.constant 2 : i32
    %mul3A_0 = arith.muli %arg1, %mul3A : i32
    %add3A = arith.addi %mul3A_0, %arg0 : i32
    %mul3A_1 = arith.constant 512 : i32
    %mul3A_2 = arith.muli %add3A, %mul3A_1 : i32
    "tpu.region"() ({
      %run_scoped3A = tpu.sem_alloc : memref<!tpu.dma_semaphore, #tpu.memory_space<semaphore_mem>>
      %dma_start3A = tpu.memref_slice %arg3[%mul3A_2] : memref<16384xi32, #tpu.memory_space<hbm>> -> memref<512xi32, #tpu.memory_space<hbm>>
      %dma_start3A_55 = tpu.memref_slice %arg3[%mul3A_2] : memref<16384xi32, #tpu.memory_space<hbm>> -> memref<512xi32, #tpu.memory_space<hbm>>
      tpu.enqueue_dma source(%dma_start3A_55 : memref<512xi32, #tpu.memory_space<hbm>>) target(%arg5 : memref<512xi32, #tpu.memory_space<vmem>>) target_semaphore(%run_scoped3A : memref<!tpu.dma_semaphore, #tpu.memory_space<semaphore_mem>>)
      %dma_wait3A_56 = tpu.memref_slice %arg3[%mul3A_2] : memref<16384xi32, #tpu.memory_space<hbm>> -> memref<512xi32, #tpu.memory_space<hbm>>
      %dma_wait3A_57 = tpu.memref_slice %arg3[%mul3A_2] : memref<16384xi32, #tpu.memory_space<hbm>> -> memref<512xi32, #tpu.memory_space<hbm>>
      tpu.wait_dma2 semaphore(%run_scoped3A : memref<!tpu.dma_semaphore, #tpu.memory_space<semaphore_mem>>) src(%dma_wait3A_57 : memref<512xi32, #tpu.memory_space<hbm>>) dst(%arg5 : memref<512xi32, #tpu.memory_space<vmem>>)
      tpu.yield
    }) : () -> ()
    %scan3A = arith.constant 0 : i32
    %scan3A_3 = arith.constant 0 : i32
    %scan3A_4 = arith.constant 32 : i32
    %scan3A_5 = arith.addi %scan3A_3, %scan3A_4 : i32
    %scan3A_6 = arith.constant 1 : i32
    scf.for %scan3A_55 = %scan3A_3 to %scan3A_5 step %scan3A_6  : i32 {
      %mul3A_56 = arith.constant 16 : i32
      %mul3A_57 = arith.muli %scan3A_55, %mul3A_56 : i32
      %get3A = arith.index_cast %mul3A_57 : i32 to index
      %get3A_58 = tpu.vector_load %arg5[%get3A] {strides = array<i32>} : memref<512xi32, #tpu.memory_space<vmem>>, vector<16xi32>,
      %get3A_59 = vector.shape_cast %get3A_58 : vector<16xi32> to vector<16xi32>
      %slice3A = vector.extract_strided_slice %get3A_59 {offsets = [0], sizes = [1], strides = [1]} : vector<16xi32> to vector<1xi32>
      %squeeze3A = vector.extract %slice3A[0] : i32 from vector<1xi32>
      %mul3A_60 = arith.constant 16 : i32
      %mul3A_61 = arith.muli %scan3A_55, %mul3A_60 : i32
      %add3A_62 = arith.addi %mul3A_2, %mul3A_61 : i32
      %add3A_63 = arith.constant 0 : i32
      %add3A_64 = arith.addi %add3A_62, %add3A_63 : i32
      %dma_start3A = arith.constant 0 : i32
      %dma_start3A_65 = tpu.memref_slice %arg6[%dma_start3A] : memref<4x!tpu.dma_semaphore, #tpu.memory_space<semaphore_mem>> -> memref<1x!tpu.dma_semaphore, #tpu.memory_space<semaphore_mem>>
      %dma_start3A_66 = tpu.memref_squeeze %dma_start3A_65 : memref<1x!tpu.dma_semaphore, #tpu.memory_space<semaphore_mem>> -> memref<!tpu.dma_semaphore, #tpu.memory_space<semaphore_mem>>
      %dma_start3A_67 = arith.constant 0 : i32
      %dma_start3A_68 = tpu.memref_slice %arg4[%add3A_64, %dma_start3A_67] : memref<16384x64xf32, #tpu.memory_space<hbm>> -> memref<1x64xf32, #tpu.memory_space<hbm>>
      %dma_start3A_69 = tpu.memref_squeeze %dma_start3A_68 : memref<1x64xf32, #tpu.memory_space<hbm>> -> memref<64xf32, #tpu.memory_space<hbm>>
      %dma_start3A_70 = arith.constant 0 : i32
      %dma_start3A_71 = tpu.memref_slice %arg2[%squeeze3A, %dma_start3A_70] : memref<1000000x64xf32, #tpu.memory_space<hbm>> -> memref<1x64xf32, #tpu.memory_space<hbm>>
      %dma_start3A_72 = tpu.memref_squeeze %dma_start3A_71 : memref<1x64xf32, #tpu.memory_space<hbm>> -> memref<64xf32, #tpu.memory_space<hbm>>
      tpu.enqueue_dma source(%dma_start3A_72 : memref<64xf32, #tpu.memory_space<hbm>>) target(%dma_start3A_69 : memref<64xf32, #tpu.memory_space<hbm>>) target_semaphore(%dma_start3A_66 : memref<!tpu.dma_semaphore, #tpu.memory_space<semaphore_mem>>)
      %slice3A_73 = vector.extract_strided_slice %get3A_59 {offsets = [1], sizes = [1], strides = [1]} : vector<16xi32> to vector<1xi32>
      %squeeze3A_74 = vector.extract %slice3A_73[0] : i32 from vector<1xi32>
      %mul3A_75 = arith.constant 16 : i32
      %mul3A_76 = arith.muli %scan3A_55, %mul3A_75 : i32
      %add3A_77 = arith.addi %mul3A_2, %mul3A_76 : i32
      %add3A_78 = arith.constant 1 : i32
      %add3A_79 = arith.addi %add3A_77, %add3A_78 : i32
      %dma_start3A_80 = arith.constant 1 : i32
      %dma_start3A_81 = tpu.memref_slice %arg6[%dma_start3A_80] : memref<4x!tpu.dma_semaphore, #tpu.memory_space<semaphore_mem>> -> memref<1x!tpu.dma_semaphore, #tpu.memory_space<semaphore_mem>>
      %dma_start3A_82 = tpu.memref_squeeze %dma_start3A_81 : memref<1x!tpu.dma_semaphore, #tpu.memory_space<semaphore_mem>> -> memref<!tpu.dma_semaphore, #tpu.memory_space<semaphore_mem>>
      %dma_start3A_83 = arith.constant 0 : i32
      %dma_start3A_84 = tpu.memref_slice %arg4[%add3A_79, %dma_start3A_83] : memref<16384x64xf32, #tpu.memory_space<hbm>> -> memref<1x64xf32, #tpu.memory_space<hbm>>
      %dma_start3A_85 = tpu.memref_squeeze %dma_start3A_84 : memref<1x64xf32, #tpu.memory_space<hbm>> -> memref<64xf32, #tpu.memory_space<hbm>>
      %dma_start3A_86 = arith.constant 0 : i32
      %dma_start3A_87 = tpu.memref_slice %arg2[%squeeze3A_74, %dma_start3A_86] : memref<1000000x64xf32, #tpu.memory_space<hbm>> -> memref<1x64xf32, #tpu.memory_space<hbm>>
      %dma_start3A_88 = tpu.memref_squeeze %dma_start3A_87 : memref<1x64xf32, #tpu.memory_space<hbm>> -> memref<64xf32, #tpu.memory_space<hbm>>
      tpu.enqueue_dma source(%dma_start3A_88 : memref<64xf32, #tpu.memory_space<hbm>>) target(%dma_start3A_85 : memref<64xf32, #tpu.memory_space<hbm>>) target_semaphore(%dma_start3A_82 : memref<!tpu.dma_semaphore, #tpu.memory_space<semaphore_mem>>)
      %slice3A_89 = vector.extract_strided_slice %get3A_59 {offsets = [2], sizes = [1], strides = [1]} : vector<16xi32> to vector<1xi32>
      %squeeze3A_90 = vector.extract %slice3A_89[0] : i32 from vector<1xi32>
      %mul3A_91 = arith.constant 16 : i32
      %mul3A_92 = arith.muli %scan3A_55, %mul3A_91 : i32
      %add3A_93 = arith.addi %mul3A_2, %mul3A_92 : i32
      %add3A_94 = arith.constant 2 : i32
      %add3A_95 = arith.addi %add3A_93, %add3A_94 : i32
      %dma_start3A_96 = arith.constant 2 : i32
      %dma_start3A_97 = tpu.memref_slice %arg6[%dma_start3A_96] : memref<4x!tpu.dma_semaphore, #tpu.memory_space<semaphore_mem>> -> memref<1x!tpu.dma_semaphore, #tpu.memory_space<semaphore_mem>>
      %dma_start3A_98 = tpu.memref_squeeze %dma_start3A_97 : memref<1x!tpu.dma_semaphore, #tpu.memory_space<semaphore_mem>> -> memref<!tpu.dma_semaphore, #tpu.memory_space<semaphore_mem>>
      %dma_start3A_99 = arith.constant 0 : i32
      %dma_start3A_100 = tpu.memref_slice %arg4[%add3A_95, %dma_start3A_99] : memref<16384x64xf32, #tpu.memory_space<hbm>> -> memref<1x64xf32, #tpu.memory_space<hbm>>
      %dma_start3A_101 = tpu.memref_squeeze %dma_start3A_100 : memref<1x64xf32, #tpu.memory_space<hbm>> -> memref<64xf32, #tpu.memory_space<hbm>>
      %dma_start3A_102 = arith.constant 0 : i32
      %dma_start3A_103 = tpu.memref_slice %arg2[%squeeze3A_90, %dma_start3A_102] : memref<1000000x64xf32, #tpu.memory_space<hbm>> -> memref<1x64xf32, #tpu.memory_space<hbm>>
      %dma_start3A_104 = tpu.memref_squeeze %dma_start3A_103 : memref<1x64xf32, #tpu.memory_space<hbm>> -> memref<64xf32, #tpu.memory_space<hbm>>
      tpu.enqueue_dma source(%dma_start3A_104 : memref<64xf32, #tpu.memory_space<hbm>>) target(%dma_start3A_101 : memref<64xf32, #tpu.memory_space<hbm>>) target_semaphore(%dma_start3A_98 : memref<!tpu.dma_semaphore, #tpu.memory_space<semaphore_mem>>)
      %slice3A_105 = vector.extract_strided_slice %get3A_59 {offsets = [3], sizes = [1], strides = [1]} : vector<16xi32> to vector<1xi32>
      %squeeze3A_106 = vector.extract %slice3A_105[0] : i32 from vector<1xi32>
      %mul3A_107 = arith.constant 16 : i32
      %mul3A_108 = arith.muli %scan3A_55, %mul3A_107 : i32
      %add3A_109 = arith.addi %mul3A_2, %mul3A_108 : i32
      %add3A_110 = arith.constant 3 : i32
      %add3A_111 = arith.addi %add3A_109, %add3A_110 : i32
      %dma_start3A_112 = arith.constant 3 : i32
      %dma_start3A_113 = tpu.memref_slice %arg6[%dma_start3A_112] : memref<4x!tpu.dma_semaphore, #tpu.memory_space<semaphore_mem>> -> memref<1x!tpu.dma_semaphore, #tpu.memory_space<semaphore_mem>>
      %dma_start3A_114 = tpu.memref_squeeze %dma_start3A_113 : memref<1x!tpu.dma_semaphore, #tpu.memory_space<semaphore_mem>> -> memref<!tpu.dma_semaphore, #tpu.memory_space<semaphore_mem>>
      %dma_start3A_115 = arith.constant 0 : i32
      %dma_start3A_116 = tpu.memref_slice %arg4[%add3A_111, %dma_start3A_115] : memref<16384x64xf32, #tpu.memory_space<hbm>> -> memref<1x64xf32, #tpu.memory_space<hbm>>
      %dma_start3A_117 = tpu.memref_squeeze %dma_start3A_116 : memref<1x64xf32, #tpu.memory_space<hbm>> -> memref<64xf32, #tpu.memory_space<hbm>>
      %dma_start3A_118 = arith.constant 0 : i32
      %dma_start3A_119 = tpu.memref_slice %arg2[%squeeze3A_106, %dma_start3A_118] : memref<1000000x64xf32, #tpu.memory_space<hbm>> -> memref<1x64xf32, #tpu.memory_space<hbm>>
      %dma_start3A_120 = tpu.memref_squeeze %dma_start3A_119 : memref<1x64xf32, #tpu.memory_space<hbm>> -> memref<64xf32, #tpu.memory_space<hbm>>
      tpu.enqueue_dma source(%dma_start3A_120 : memref<64xf32, #tpu.memory_space<hbm>>) target(%dma_start3A_117 : memref<64xf32, #tpu.memory_space<hbm>>) target_semaphore(%dma_start3A_114 : memref<!tpu.dma_semaphore, #tpu.memory_space<semaphore_mem>>)
      %slice3A_121 = vector.extract_strided_slice %get3A_59 {offsets = [4], sizes = [1], strides = [1]} : vector<16xi32> to vector<1xi32>
      %squeeze3A_122 = vector.extract %slice3A_121[0] : i32 from vector<1xi32>
      %mul3A_123 = arith.constant 16 : i32
      %mul3A_124 = arith.muli %scan3A_55, %mul3A_123 : i32
      %add3A_125 = arith.addi %mul3A_2, %mul3A_124 : i32
      %add3A_126 = arith.constant 4 : i32
      %add3A_127 = arith.addi %add3A_125, %add3A_126 : i32
      %dma_start3A_128 = arith.constant 0 : i32
      %dma_start3A_129 = tpu.memref_slice %arg6[%dma_start3A_128] : memref<4x!tpu.dma_semaphore, #tpu.memory_space<semaphore_mem>> -> memref<1x!tpu.dma_semaphore, #tpu.memory_space<semaphore_mem>>
      %dma_start3A_130 = tpu.memref_squeeze %dma_start3A_129 : memref<1x!tpu.dma_semaphore, #tpu.memory_space<semaphore_mem>> -> memref<!tpu.dma_semaphore, #tpu.memory_space<semaphore_mem>>
      %dma_start3A_131 = arith.constant 0 : i32
      %dma_start3A_132 = tpu.memref_slice %arg4[%add3A_127, %dma_start3A_131] : memref<16384x64xf32, #tpu.memory_space<hbm>> -> memref<1x64xf32, #tpu.memory_space<hbm>>
      %dma_start3A_133 = tpu.memref_squeeze %dma_start3A_132 : memref<1x64xf32, #tpu.memory_space<hbm>> -> memref<64xf32, #tpu.memory_space<hbm>>
      %dma_start3A_134 = arith.constant 0 : i32
      %dma_start3A_135 = tpu.memref_slice %arg2[%squeeze3A_122, %dma_start3A_134] : memref<1000000x64xf32, #tpu.memory_space<hbm>> -> memref<1x64xf32, #tpu.memory_space<hbm>>
      %dma_start3A_136 = tpu.memref_squeeze %dma_start3A_135 : memref<1x64xf32, #tpu.memory_space<hbm>> -> memref<64xf32, #tpu.memory_space<hbm>>
      tpu.enqueue_dma source(%dma_start3A_136 : memref<64xf32, #tpu.memory_space<hbm>>) target(%dma_start3A_133 : memref<64xf32, #tpu.memory_space<hbm>>) target_semaphore(%dma_start3A_130 : memref<!tpu.dma_semaphore, #tpu.memory_space<semaphore_mem>>)
      %slice3A_137 = vector.extract_strided_slice %get3A_59 {offsets = [5], sizes = [1], strides = [1]} : vector<16xi32> to vector<1xi32>
      %squeeze3A_138 = vector.extract %slice3A_137[0] : i32 from vector<1xi32>
      %mul3A_139 = arith.constant 16 : i32
      %mul3A_140 = arith.muli %scan3A_55, %mul3A_139 : i32
      %add3A_141 = arith.addi %mul3A_2, %mul3A_140 : i32
      %add3A_142 = arith.constant 5 : i32
      %add3A_143 = arith.addi %add3A_141, %add3A_142 : i32
      %dma_start3A_144 = arith.constant 1 : i32
      %dma_start3A_145 = tpu.memref_slice %arg6[%dma_start3A_144] : memref<4x!tpu.dma_semaphore, #tpu.memory_space<semaphore_mem>> -> memref<1x!tpu.dma_semaphore, #tpu.memory_space<semaphore_mem>>
      %dma_start3A_146 = tpu.memref_squeeze %dma_start3A_145 : memref<1x!tpu.dma_semaphore, #tpu.memory_space<semaphore_mem>> -> memref<!tpu.dma_semaphore, #tpu.memory_space<semaphore_mem>>
      %dma_start3A_147 = arith.constant 0 : i32
      %dma_start3A_148 = tpu.memref_slice %arg4[%add3A_143, %dma_start3A_147] : memref<16384x64xf32, #tpu.memory_space<hbm>> -> memref<1x64xf32, #tpu.memory_space<hbm>>
      %dma_start3A_149 = tpu.memref_squeeze %dma_start3A_148 : memref<1x64xf32, #tpu.memory_space<hbm>> -> memref<64xf32, #tpu.memory_space<hbm>>
      %dma_start3A_150 = arith.constant 0 : i32
      %dma_start3A_151 = tpu.memref_slice %arg2[%squeeze3A_138, %dma_start3A_150] : memref<1000000x64xf32, #tpu.memory_space<hbm>> -> memref<1x64xf32, #tpu.memory_space<hbm>>
      %dma_start3A_152 = tpu.memref_squeeze %dma_start3A_151 : memref<1x64xf32, #tpu.memory_space<hbm>> -> memref<64xf32, #tpu.memory_space<hbm>>
      tpu.enqueue_dma source(%dma_start3A_152 : memref<64xf32, #tpu.memory_space<hbm>>) target(%dma_start3A_149 : memref<64xf32, #tpu.memory_space<hbm>>) target_semaphore(%dma_start3A_146 : memref<!tpu.dma_semaphore, #tpu.memory_space<semaphore_mem>>)
      %slice3A_153 = vector.extract_strided_slice %get3A_59 {offsets = [6], sizes = [1], strides = [1]} : vector<16xi32> to vector<1xi32>
      %squeeze3A_154 = vector.extract %slice3A_153[0] : i32 from vector<1xi32>
      %mul3A_155 = arith.constant 16 : i32
      %mul3A_156 = arith.muli %scan3A_55, %mul3A_155 : i32
      %add3A_157 = arith.addi %mul3A_2, %mul3A_156 : i32
      %add3A_158 = arith.constant 6 : i32
      %add3A_159 = arith.addi %add3A_157, %add3A_158 : i32
      %dma_start3A_160 = arith.constant 2 : i32
      %dma_start3A_161 = tpu.memref_slice %arg6[%dma_start3A_160] : memref<4x!tpu.dma_semaphore, #tpu.memory_space<semaphore_mem>> -> memref<1x!tpu.dma_semaphore, #tpu.memory_space<semaphore_mem>>
      %dma_start3A_162 = tpu.memref_squeeze %dma_start3A_161 : memref<1x!tpu.dma_semaphore, #tpu.memory_space<semaphore_mem>> -> memref<!tpu.dma_semaphore, #tpu.memory_space<semaphore_mem>>
      %dma_start3A_163 = arith.constant 0 : i32
      %dma_start3A_164 = tpu.memref_slice %arg4[%add3A_159, %dma_start3A_163] : memref<16384x64xf32, #tpu.memory_space<hbm>> -> memref<1x64xf32, #tpu.memory_space<hbm>>
      %dma_start3A_165 = tpu.memref_squeeze %dma_start3A_164 : memref<1x64xf32, #tpu.memory_space<hbm>> -> memref<64xf32, #tpu.memory_space<hbm>>
      %dma_start3A_166 = arith.constant 0 : i32
      %dma_start3A_167 = tpu.memref_slice %arg2[%squeeze3A_154, %dma_start3A_166] : memref<1000000x64xf32, #tpu.memory_space<hbm>> -> memref<1x64xf32, #tpu.memory_space<hbm>>
      %dma_start3A_168 = tpu.memref_squeeze %dma_start3A_167 : memref<1x64xf32, #tpu.memory_space<hbm>> -> memref<64xf32, #tpu.memory_space<hbm>>
      tpu.enqueue_dma source(%dma_start3A_168 : memref<64xf32, #tpu.memory_space<hbm>>) target(%dma_start3A_165 : memref<64xf32, #tpu.memory_space<hbm>>) target_semaphore(%dma_start3A_162 : memref<!tpu.dma_semaphore, #tpu.memory_space<semaphore_mem>>)
      %slice3A_169 = vector.extract_strided_slice %get3A_59 {offsets = [7], sizes = [1], strides = [1]} : vector<16xi32> to vector<1xi32>
      %squeeze3A_170 = vector.extract %slice3A_169[0] : i32 from vector<1xi32>
      %mul3A_171 = arith.constant 16 : i32
      %mul3A_172 = arith.muli %scan3A_55, %mul3A_171 : i32
      %add3A_173 = arith.addi %mul3A_2, %mul3A_172 : i32
      %add3A_174 = arith.constant 7 : i32
      %add3A_175 = arith.addi %add3A_173, %add3A_174 : i32
      %dma_start3A_176 = arith.constant 3 : i32
      %dma_start3A_177 = tpu.memref_slice %arg6[%dma_start3A_176] : memref<4x!tpu.dma_semaphore, #tpu.memory_space<semaphore_mem>> -> memref<1x!tpu.dma_semaphore, #tpu.memory_space<semaphore_mem>>
      %dma_start3A_178 = tpu.memref_squeeze %dma_start3A_177 : memref<1x!tpu.dma_semaphore, #tpu.memory_space<semaphore_mem>> -> memref<!tpu.dma_semaphore, #tpu.memory_space<semaphore_mem>>
      %dma_start3A_179 = arith.constant 0 : i32
      %dma_start3A_180 = tpu.memref_slice %arg4[%add3A_175, %dma_start3A_179] : memref<16384x64xf32, #tpu.memory_space<hbm>> -> memref<1x64xf32, #tpu.memory_space<hbm>>
      %dma_start3A_181 = tpu.memref_squeeze %dma_start3A_180 : memref<1x64xf32, #tpu.memory_space<hbm>> -> memref<64xf32, #tpu.memory_space<hbm>>
      %dma_start3A_182 = arith.constant 0 : i32
      %dma_start3A_183 = tpu.memref_slice %arg2[%squeeze3A_170, %dma_start3A_182] : memref<1000000x64xf32, #tpu.memory_space<hbm>> -> memref<1x64xf32, #tpu.memory_space<hbm>>
      %dma_start3A_184 = tpu.memref_squeeze %dma_start3A_183 : memref<1x64xf32, #tpu.memory_space<hbm>> -> memref<64xf32, #tpu.memory_space<hbm>>
      tpu.enqueue_dma source(%dma_start3A_184 : memref<64xf32, #tpu.memory_space<hbm>>) target(%dma_start3A_181 : memref<64xf32, #tpu.memory_space<hbm>>) target_semaphore(%dma_start3A_178 : memref<!tpu.dma_semaphore, #tpu.memory_space<semaphore_mem>>)
      %slice3A_185 = vector.extract_strided_slice %get3A_59 {offsets = [8], sizes = [1], strides = [1]} : vector<16xi32> to vector<1xi32>
      %squeeze3A_186 = vector.extract %slice3A_185[0] : i32 from vector<1xi32>
      %mul3A_187 = arith.constant 16 : i32
      %mul3A_188 = arith.muli %scan3A_55, %mul3A_187 : i32
      %add3A_189 = arith.addi %mul3A_2, %mul3A_188 : i32
      %add3A_190 = arith.constant 8 : i32
      %add3A_191 = arith.addi %add3A_189, %add3A_190 : i32
      %dma_start3A_192 = arith.constant 0 : i32
      %dma_start3A_193 = tpu.memref_slice %arg6[%dma_start3A_192] : memref<4x!tpu.dma_semaphore, #tpu.memory_space<semaphore_mem>> -> memref<1x!tpu.dma_semaphore, #tpu.memory_space<semaphore_mem>>
      %dma_start3A_194 = tpu.memref_squeeze %dma_start3A_193 : memref<1x!tpu.dma_semaphore, #tpu.memory_space<semaphore_mem>> -> memref<!tpu.dma_semaphore, #tpu.memory_space<semaphore_mem>>
      %dma_start3A_195 = arith.constant 0 : i32
      %dma_start3A_196 = tpu.memref_slice %arg4[%add3A_191, %dma_start3A_195] : memref<16384x64xf32, #tpu.memory_space<hbm>> -> memref<1x64xf32, #tpu.memory_space<hbm>>
      %dma_start3A_197 = tpu.memref_squeeze %dma_start3A_196 : memref<1x64xf32, #tpu.memory_space<hbm>> -> memref<64xf32, #tpu.memory_space<hbm>>
      %dma_start3A_198 = arith.constant 0 : i32
      %dma_start3A_199 = tpu.memref_slice %arg2[%squeeze3A_186, %dma_start3A_198] : memref<1000000x64xf32, #tpu.memory_space<hbm>> -> memref<1x64xf32, #tpu.memory_space<hbm>>
      %dma_start3A_200 = tpu.memref_squeeze %dma_start3A_199 : memref<1x64xf32, #tpu.memory_space<hbm>> -> memref<64xf32, #tpu.memory_space<hbm>>
      tpu.enqueue_dma source(%dma_start3A_200 : memref<64xf32, #tpu.memory_space<hbm>>) target(%dma_start3A_197 : memref<64xf32, #tpu.memory_space<hbm>>) target_semaphore(%dma_start3A_194 : memref<!tpu.dma_semaphore, #tpu.memory_space<semaphore_mem>>)
      %slice3A_201 = vector.extract_strided_slice %get3A_59 {offsets = [9], sizes = [1], strides = [1]} : vector<16xi32> to vector<1xi32>
      %squeeze3A_202 = vector.extract %slice3A_201[0] : i32 from vector<1xi32>
      %mul3A_203 = arith.constant 16 : i32
      %mul3A_204 = arith.muli %scan3A_55, %mul3A_203 : i32
      %add3A_205 = arith.addi %mul3A_2, %mul3A_204 : i32
      %add3A_206 = arith.constant 9 : i32
      %add3A_207 = arith.addi %add3A_205, %add3A_206 : i32
      %dma_start3A_208 = arith.constant 1 : i32
      %dma_start3A_209 = tpu.memref_slice %arg6[%dma_start3A_208] : memref<4x!tpu.dma_semaphore, #tpu.memory_space<semaphore_mem>> -> memref<1x!tpu.dma_semaphore, #tpu.memory_space<semaphore_mem>>
      %dma_start3A_210 = tpu.memref_squeeze %dma_start3A_209 : memref<1x!tpu.dma_semaphore, #tpu.memory_space<semaphore_mem>> -> memref<!tpu.dma_semaphore, #tpu.memory_space<semaphore_mem>>
      %dma_start3A_211 = arith.constant 0 : i32
      %dma_start3A_212 = tpu.memref_slice %arg4[%add3A_207, %dma_start3A_211] : memref<16384x64xf32, #tpu.memory_space<hbm>> -> memref<1x64xf32, #tpu.memory_space<hbm>>
      %dma_start3A_213 = tpu.memref_squeeze %dma_start3A_212 : memref<1x64xf32, #tpu.memory_space<hbm>> -> memref<64xf32, #tpu.memory_space<hbm>>
      %dma_start3A_214 = arith.constant 0 : i32
      %dma_start3A_215 = tpu.memref_slice %arg2[%squeeze3A_202, %dma_start3A_214] : memref<1000000x64xf32, #tpu.memory_space<hbm>> -> memref<1x64xf32, #tpu.memory_space<hbm>>
      %dma_start3A_216 = tpu.memref_squeeze %dma_start3A_215 : memref<1x64xf32, #tpu.memory_space<hbm>> -> memref<64xf32, #tpu.memory_space<hbm>>
      tpu.enqueue_dma source(%dma_start3A_216 : memref<64xf32, #tpu.memory_space<hbm>>) target(%dma_start3A_213 : memref<64xf32, #tpu.memory_space<hbm>>) target_semaphore(%dma_start3A_210 : memref<!tpu.dma_semaphore, #tpu.memory_space<semaphore_mem>>)
      %slice3A_217 = vector.extract_strided_slice %get3A_59 {offsets = [10], sizes = [1], strides = [1]} : vector<16xi32> to vector<1xi32>
      %squeeze3A_218 = vector.extract %slice3A_217[0] : i32 from vector<1xi32>
      %mul3A_219 = arith.constant 16 : i32
      %mul3A_220 = arith.muli %scan3A_55, %mul3A_219 : i32
      %add3A_221 = arith.addi %mul3A_2, %mul3A_220 : i32
      %add3A_222 = arith.constant 10 : i32
      %add3A_223 = arith.addi %add3A_221, %add3A_222 : i32
      %dma_start3A_224 = arith.constant 2 : i32
      %dma_start3A_225 = tpu.memref_slice %arg6[%dma_start3A_224] : memref<4x!tpu.dma_semaphore, #tpu.memory_space<semaphore_mem>> -> memref<1x!tpu.dma_semaphore, #tpu.memory_space<semaphore_mem>>
      %dma_start3A_226 = tpu.memref_squeeze %dma_start3A_225 : memref<1x!tpu.dma_semaphore, #tpu.memory_space<semaphore_mem>> -> memref<!tpu.dma_semaphore, #tpu.memory_space<semaphore_mem>>
      %dma_start3A_227 = arith.constant 0 : i32
      %dma_start3A_228 = tpu.memref_slice %arg4[%add3A_223, %dma_start3A_227] : memref<16384x64xf32, #tpu.memory_space<hbm>> -> memref<1x64xf32, #tpu.memory_space<hbm>>
      %dma_start3A_229 = tpu.memref_squeeze %dma_start3A_228 : memref<1x64xf32, #tpu.memory_space<hbm>> -> memref<64xf32, #tpu.memory_space<hbm>>
      %dma_start3A_230 = arith.constant 0 : i32
      %dma_start3A_231 = tpu.memref_slice %arg2[%squeeze3A_218, %dma_start3A_230] : memref<1000000x64xf32, #tpu.memory_space<hbm>> -> memref<1x64xf32, #tpu.memory_space<hbm>>
      %dma_start3A_232 = tpu.memref_squeeze %dma_start3A_231 : memref<1x64xf32, #tpu.memory_space<hbm>> -> memref<64xf32, #tpu.memory_space<hbm>>
      tpu.enqueue_dma source(%dma_start3A_232 : memref<64xf32, #tpu.memory_space<hbm>>) target(%dma_start3A_229 : memref<64xf32, #tpu.memory_space<hbm>>) target_semaphore(%dma_start3A_226 : memref<!tpu.dma_semaphore, #tpu.memory_space<semaphore_mem>>)
      %slice3A_233 = vector.extract_strided_slice %get3A_59 {offsets = [11], sizes = [1], strides = [1]} : vector<16xi32> to vector<1xi32>
      %squeeze3A_234 = vector.extract %slice3A_233[0] : i32 from vector<1xi32>
      %mul3A_235 = arith.constant 16 : i32
      %mul3A_236 = arith.muli %scan3A_55, %mul3A_235 : i32
      %add3A_237 = arith.addi %mul3A_2, %mul3A_236 : i32
      %add3A_238 = arith.constant 11 : i32
      %add3A_239 = arith.addi %add3A_237, %add3A_238 : i32
      %dma_start3A_240 = arith.constant 3 : i32
      %dma_start3A_241 = tpu.memref_slice %arg6[%dma_start3A_240] : memref<4x!tpu.dma_semaphore, #tpu.memory_space<semaphore_mem>> -> memref<1x!tpu.dma_semaphore, #tpu.memory_space<semaphore_mem>>
      %dma_start3A_242 = tpu.memref_squeeze %dma_start3A_241 : memref<1x!tpu.dma_semaphore, #tpu.memory_space<semaphore_mem>> -> memref<!tpu.dma_semaphore, #tpu.memory_space<semaphore_mem>>
      %dma_start3A_243 = arith.constant 0 : i32
      %dma_start3A_244 = tpu.memref_slice %arg4[%add3A_239, %dma_start3A_243] : memref<16384x64xf32, #tpu.memory_space<hbm>> -> memref<1x64xf32, #tpu.memory_space<hbm>>
      %dma_start3A_245 = tpu.memref_squeeze %dma_start3A_244 : memref<1x64xf32, #tpu.memory_space<hbm>> -> memref<64xf32, #tpu.memory_space<hbm>>
      %dma_start3A_246 = arith.constant 0 : i32
      %dma_start3A_247 = tpu.memref_slice %arg2[%squeeze3A_234, %dma_start3A_246] : memref<1000000x64xf32, #tpu.memory_space<hbm>> -> memref<1x64xf32, #tpu.memory_space<hbm>>
      %dma_start3A_248 = tpu.memref_squeeze %dma_start3A_247 : memref<1x64xf32, #tpu.memory_space<hbm>> -> memref<64xf32, #tpu.memory_space<hbm>>
      tpu.enqueue_dma source(%dma_start3A_248 : memref<64xf32, #tpu.memory_space<hbm>>) target(%dma_start3A_245 : memref<64xf32, #tpu.memory_space<hbm>>) target_semaphore(%dma_start3A_242 : memref<!tpu.dma_semaphore, #tpu.memory_space<semaphore_mem>>)
      %slice3A_249 = vector.extract_strided_slice %get3A_59 {offsets = [12], sizes = [1], strides = [1]} : vector<16xi32> to vector<1xi32>
      %squeeze3A_250 = vector.extract %slice3A_249[0] : i32 from vector<1xi32>
      %mul3A_251 = arith.constant 16 : i32
      %mul3A_252 = arith.muli %scan3A_55, %mul3A_251 : i32
      %add3A_253 = arith.addi %mul3A_2, %mul3A_252 : i32
      %add3A_254 = arith.constant 12 : i32
      %add3A_255 = arith.addi %add3A_253, %add3A_254 : i32
      %dma_start3A_256 = arith.constant 0 : i32
      %dma_start3A_257 = tpu.memref_slice %arg6[%dma_start3A_256] : memref<4x!tpu.dma_semaphore, #tpu.memory_space<semaphore_mem>> -> memref<1x!tpu.dma_semaphore, #tpu.memory_space<semaphore_mem>>
      %dma_start3A_258 = tpu.memref_squeeze %dma_start3A_257 : memref<1x!tpu.dma_semaphore, #tpu.memory_space<semaphore_mem>> -> memref<!tpu.dma_semaphore, #tpu.memory_space<semaphore_mem>>
      %dma_start3A_259 = arith.constant 0 : i32
      %dma_start3A_260 = tpu.memref_slice %arg4[%add3A_255, %dma_start3A_259] : memref<16384x64xf32, #tpu.memory_space<hbm>> -> memref<1x64xf32, #tpu.memory_space<hbm>>
      %dma_start3A_261 = tpu.memref_squeeze %dma_start3A_260 : memref<1x64xf32, #tpu.memory_space<hbm>> -> memref<64xf32, #tpu.memory_space<hbm>>
      %dma_start3A_262 = arith.constant 0 : i32
      %dma_start3A_263 = tpu.memref_slice %arg2[%squeeze3A_250, %dma_start3A_262] : memref<1000000x64xf32, #tpu.memory_space<hbm>> -> memref<1x64xf32, #tpu.memory_space<hbm>>
      %dma_start3A_264 = tpu.memref_squeeze %dma_start3A_263 : memref<1x64xf32, #tpu.memory_space<hbm>> -> memref<64xf32, #tpu.memory_space<hbm>>
      tpu.enqueue_dma source(%dma_start3A_264 : memref<64xf32, #tpu.memory_space<hbm>>) target(%dma_start3A_261 : memref<64xf32, #tpu.memory_space<hbm>>) target_semaphore(%dma_start3A_258 : memref<!tpu.dma_semaphore, #tpu.memory_space<semaphore_mem>>)
      %slice3A_265 = vector.extract_strided_slice %get3A_59 {offsets = [13], sizes = [1], strides = [1]} : vector<16xi32> to vector<1xi32>
      %squeeze3A_266 = vector.extract %slice3A_265[0] : i32 from vector<1xi32>
      %mul3A_267 = arith.constant 16 : i32
      %mul3A_268 = arith.muli %scan3A_55, %mul3A_267 : i32
      %add3A_269 = arith.addi %mul3A_2, %mul3A_268 : i32
      %add3A_270 = arith.constant 13 : i32
      %add3A_271 = arith.addi %add3A_269, %add3A_270 : i32
      %dma_start3A_272 = arith.constant 1 : i32
      %dma_start3A_273 = tpu.memref_slice %arg6[%dma_start3A_272] : memref<4x!tpu.dma_semaphore, #tpu.memory_space<semaphore_mem>> -> memref<1x!tpu.dma_semaphore, #tpu.memory_space<semaphore_mem>>
      %dma_start3A_274 = tpu.memref_squeeze %dma_start3A_273 : memref<1x!tpu.dma_semaphore, #tpu.memory_space<semaphore_mem>> -> memref<!tpu.dma_semaphore, #tpu.memory_space<semaphore_mem>>
      %dma_start3A_275 = arith.constant 0 : i32
      %dma_start3A_276 = tpu.memref_slice %arg4[%add3A_271, %dma_start3A_275] : memref<16384x64xf32, #tpu.memory_space<hbm>> -> memref<1x64xf32, #tpu.memory_space<hbm>>
      %dma_start3A_277 = tpu.memref_squeeze %dma_start3A_276 : memref<1x64xf32, #tpu.memory_space<hbm>> -> memref<64xf32, #tpu.memory_space<hbm>>
      %dma_start3A_278 = arith.constant 0 : i32
      %dma_start3A_279 = tpu.memref_slice %arg2[%squeeze3A_266, %dma_start3A_278] : memref<1000000x64xf32, #tpu.memory_space<hbm>> -> memref<1x64xf32, #tpu.memory_space<hbm>>
      %dma_start3A_280 = tpu.memref_squeeze %dma_start3A_279 : memref<1x64xf32, #tpu.memory_space<hbm>> -> memref<64xf32, #tpu.memory_space<hbm>>
      tpu.enqueue_dma source(%dma_start3A_280 : memref<64xf32, #tpu.memory_space<hbm>>) target(%dma_start3A_277 : memref<64xf32, #tpu.memory_space<hbm>>) target_semaphore(%dma_start3A_274 : memref<!tpu.dma_semaphore, #tpu.memory_space<semaphore_mem>>)
      %slice3A_281 = vector.extract_strided_slice %get3A_59 {offsets = [14], sizes = [1], strides = [1]} : vector<16xi32> to vector<1xi32>
      %squeeze3A_282 = vector.extract %slice3A_281[0] : i32 from vector<1xi32>
      %mul3A_283 = arith.constant 16 : i32
      %mul3A_284 = arith.muli %scan3A_55, %mul3A_283 : i32
      %add3A_285 = arith.addi %mul3A_2, %mul3A_284 : i32
      %add3A_286 = arith.constant 14 : i32
      %add3A_287 = arith.addi %add3A_285, %add3A_286 : i32
      %dma_start3A_288 = arith.constant 2 : i32
      %dma_start3A_289 = tpu.memref_slice %arg6[%dma_start3A_288] : memref<4x!tpu.dma_semaphore, #tpu.memory_space<semaphore_mem>> -> memref<1x!tpu.dma_semaphore, #tpu.memory_space<semaphore_mem>>
      %dma_start3A_290 = tpu.memref_squeeze %dma_start3A_289 : memref<1x!tpu.dma_semaphore, #tpu.memory_space<semaphore_mem>> -> memref<!tpu.dma_semaphore, #tpu.memory_space<semaphore_mem>>
      %dma_start3A_291 = arith.constant 0 : i32
      %dma_start3A_292 = tpu.memref_slice %arg4[%add3A_287, %dma_start3A_291] : memref<16384x64xf32, #tpu.memory_space<hbm>> -> memref<1x64xf32, #tpu.memory_space<hbm>>
      %dma_start3A_293 = tpu.memref_squeeze %dma_start3A_292 : memref<1x64xf32, #tpu.memory_space<hbm>> -> memref<64xf32, #tpu.memory_space<hbm>>
      %dma_start3A_294 = arith.constant 0 : i32
      %dma_start3A_295 = tpu.memref_slice %arg2[%squeeze3A_282, %dma_start3A_294] : memref<1000000x64xf32, #tpu.memory_space<hbm>> -> memref<1x64xf32, #tpu.memory_space<hbm>>
      %dma_start3A_296 = tpu.memref_squeeze %dma_start3A_295 : memref<1x64xf32, #tpu.memory_space<hbm>> -> memref<64xf32, #tpu.memory_space<hbm>>
      tpu.enqueue_dma source(%dma_start3A_296 : memref<64xf32, #tpu.memory_space<hbm>>) target(%dma_start3A_293 : memref<64xf32, #tpu.memory_space<hbm>>) target_semaphore(%dma_start3A_290 : memref<!tpu.dma_semaphore, #tpu.memory_space<semaphore_mem>>)
      %slice3A_297 = vector.extract_strided_slice %get3A_59 {offsets = [15], sizes = [1], strides = [1]} : vector<16xi32> to vector<1xi32>
      %squeeze3A_298 = vector.extract %slice3A_297[0] : i32 from vector<1xi32>
      %mul3A_299 = arith.constant 16 : i32
      %mul3A_300 = arith.muli %scan3A_55, %mul3A_299 : i32
      %add3A_301 = arith.addi %mul3A_2, %mul3A_300 : i32
      %add3A_302 = arith.constant 15 : i32
      %add3A_303 = arith.addi %add3A_301, %add3A_302 : i32
      %dma_start3A_304 = arith.constant 3 : i32
      %dma_start3A_305 = tpu.memref_slice %arg6[%dma_start3A_304] : memref<4x!tpu.dma_semaphore, #tpu.memory_space<semaphore_mem>> -> memref<1x!tpu.dma_semaphore, #tpu.memory_space<semaphore_mem>>
      %dma_start3A_306 = tpu.memref_squeeze %dma_start3A_305 : memref<1x!tpu.dma_semaphore, #tpu.memory_space<semaphore_mem>> -> memref<!tpu.dma_semaphore, #tpu.memory_space<semaphore_mem>>
      %dma_start3A_307 = arith.constant 0 : i32
      %dma_start3A_308 = tpu.memref_slice %arg4[%add3A_303, %dma_start3A_307] : memref<16384x64xf32, #tpu.memory_space<hbm>> -> memref<1x64xf32, #tpu.memory_space<hbm>>
      %dma_start3A_309 = tpu.memref_squeeze %dma_start3A_308 : memref<1x64xf32, #tpu.memory_space<hbm>> -> memref<64xf32, #tpu.memory_space<hbm>>
      %dma_start3A_310 = arith.constant 0 : i32
      %dma_start3A_311 = tpu.memref_slice %arg2[%squeeze3A_298, %dma_start3A_310] : memref<1000000x64xf32, #tpu.memory_space<hbm>> -> memref<1x64xf32, #tpu.memory_space<hbm>>
      %dma_start3A_312 = tpu.memref_squeeze %dma_start3A_311 : memref<1x64xf32, #tpu.memory_space<hbm>> -> memref<64xf32, #tpu.memory_space<hbm>>
      tpu.enqueue_dma source(%dma_start3A_312 : memref<64xf32, #tpu.memory_space<hbm>>) target(%dma_start3A_309 : memref<64xf32, #tpu.memory_space<hbm>>) target_semaphore(%dma_start3A_306 : memref<!tpu.dma_semaphore, #tpu.memory_space<semaphore_mem>>)
      %ge3A = arith.constant 4 : i32
      %ge3A_313 = arith.cmpi sge, %scan3A_55, %ge3A : i32
      %convert_element_type3A = arith.extui %ge3A_313 : i1 to i32
      %cond3A = arith.constant 0 : i32
      %cond3A_314 = arith.cmpi ne, %convert_element_type3A, %cond3A : i32
      scf.if %cond3A_314 {
        %sub3A = arith.constant 4 : i32
        %sub3A_315 = arith.subi %scan3A_55, %sub3A : i32
        %mul3A_316 = arith.constant 16 : i32
        %mul3A_317 = arith.muli %sub3A_315, %mul3A_316 : i32
        %add3A_318 = arith.addi %mul3A_2, %mul3A_317 : i32
        %add3A_319 = arith.constant 0 : i32
        %add3A_320 = arith.addi %add3A_318, %add3A_319 : i32
        %dma_wait3A_321 = arith.constant 0 : i32
        %dma_wait3A_322 = tpu.memref_slice %arg6[%dma_wait3A_321] : memref<4x!tpu.dma_semaphore, #tpu.memory_space<semaphore_mem>> -> memref<1x!tpu.dma_semaphore, #tpu.memory_space<semaphore_mem>>
        %dma_wait3A_323 = tpu.memref_squeeze %dma_wait3A_322 : memref<1x!tpu.dma_semaphore, #tpu.memory_space<semaphore_mem>> -> memref<!tpu.dma_semaphore, #tpu.memory_space<semaphore_mem>>
        %dma_wait3A_324 = arith.constant 0 : i32
        %dma_wait3A_325 = tpu.memref_slice %arg4[%add3A_320, %dma_wait3A_324] : memref<16384x64xf32, #tpu.memory_space<hbm>> -> memref<4x64xf32, #tpu.memory_space<hbm>>
        %dma_wait3A_326 = arith.constant 0 : i32
        %dma_wait3A_327 = arith.constant 0 : i32
        %dma_wait3A_328 = tpu.memref_slice %arg2[%dma_wait3A_326, %dma_wait3A_327] : memref<1000000x64xf32, #tpu.memory_space<hbm>> -> memref<4x64xf32, #tpu.memory_space<hbm>>
        tpu.wait_dma2 semaphore(%dma_wait3A_323 : memref<!tpu.dma_semaphore, #tpu.memory_space<semaphore_mem>>) src(%dma_wait3A_328 : memref<4x64xf32, #tpu.memory_space<hbm>>) dst(%dma_wait3A_325 : memref<4x64xf32, #tpu.memory_space<hbm>>)
        %sub3A_329 = arith.constant 4 : i32
        %sub3A_330 = arith.subi %scan3A_55, %sub3A_329 : i32
        %mul3A_331 = arith.constant 16 : i32
        %mul3A_332 = arith.muli %sub3A_330, %mul3A_331 : i32
        %add3A_333 = arith.addi %mul3A_2, %mul3A_332 : i32
        %add3A_334 = arith.constant 4 : i32
        %add3A_335 = arith.addi %add3A_333, %add3A_334 : i32
        %dma_wait3A_336 = arith.constant 1 : i32
        %dma_wait3A_337 = tpu.memref_slice %arg6[%dma_wait3A_336] : memref<4x!tpu.dma_semaphore, #tpu.memory_space<semaphore_mem>> -> memref<1x!tpu.dma_semaphore, #tpu.memory_space<semaphore_mem>>
        %dma_wait3A_338 = tpu.memref_squeeze %dma_wait3A_337 : memref<1x!tpu.dma_semaphore, #tpu.memory_space<semaphore_mem>> -> memref<!tpu.dma_semaphore, #tpu.memory_space<semaphore_mem>>
        %dma_wait3A_339 = arith.constant 0 : i32
        %dma_wait3A_340 = tpu.memref_slice %arg4[%add3A_335, %dma_wait3A_339] : memref<16384x64xf32, #tpu.memory_space<hbm>> -> memref<4x64xf32, #tpu.memory_space<hbm>>
        %dma_wait3A_341 = arith.constant 0 : i32
        %dma_wait3A_342 = arith.constant 0 : i32
        %dma_wait3A_343 = tpu.memref_slice %arg2[%dma_wait3A_341, %dma_wait3A_342] : memref<1000000x64xf32, #tpu.memory_space<hbm>> -> memref<4x64xf32, #tpu.memory_space<hbm>>
        tpu.wait_dma2 semaphore(%dma_wait3A_338 : memref<!tpu.dma_semaphore, #tpu.memory_space<semaphore_mem>>) src(%dma_wait3A_343 : memref<4x64xf32, #tpu.memory_space<hbm>>) dst(%dma_wait3A_340 : memref<4x64xf32, #tpu.memory_space<hbm>>)
        %sub3A_344 = arith.constant 4 : i32
        %sub3A_345 = arith.subi %scan3A_55, %sub3A_344 : i32
        %mul3A_346 = arith.constant 16 : i32
        %mul3A_347 = arith.muli %sub3A_345, %mul3A_346 : i32
        %add3A_348 = arith.addi %mul3A_2, %mul3A_347 : i32
        %add3A_349 = arith.constant 8 : i32
        %add3A_350 = arith.addi %add3A_348, %add3A_349 : i32
        %dma_wait3A_351 = arith.constant 2 : i32
        %dma_wait3A_352 = tpu.memref_slice %arg6[%dma_wait3A_351] : memref<4x!tpu.dma_semaphore, #tpu.memory_space<semaphore_mem>> -> memref<1x!tpu.dma_semaphore, #tpu.memory_space<semaphore_mem>>
        %dma_wait3A_353 = tpu.memref_squeeze %dma_wait3A_352 : memref<1x!tpu.dma_semaphore, #tpu.memory_space<semaphore_mem>> -> memref<!tpu.dma_semaphore, #tpu.memory_space<semaphore_mem>>
        %dma_wait3A_354 = arith.constant 0 : i32
        %dma_wait3A_355 = tpu.memref_slice %arg4[%add3A_350, %dma_wait3A_354] : memref<16384x64xf32, #tpu.memory_space<hbm>> -> memref<4x64xf32, #tpu.memory_space<hbm>>
        %dma_wait3A_356 = arith.constant 0 : i32
        %dma_wait3A_357 = arith.constant 0 : i32
        %dma_wait3A_358 = tpu.memref_slice %arg2[%dma_wait3A_356, %dma_wait3A_357] : memref<1000000x64xf32, #tpu.memory_space<hbm>> -> memref<4x64xf32, #tpu.memory_space<hbm>>
        tpu.wait_dma2 semaphore(%dma_wait3A_353 : memref<!tpu.dma_semaphore, #tpu.memory_space<semaphore_mem>>) src(%dma_wait3A_358 : memref<4x64xf32, #tpu.memory_space<hbm>>) dst(%dma_wait3A_355 : memref<4x64xf32, #tpu.memory_space<hbm>>)
        %sub3A_359 = arith.constant 4 : i32
        %sub3A_360 = arith.subi %scan3A_55, %sub3A_359 : i32
        %mul3A_361 = arith.constant 16 : i32
        %mul3A_362 = arith.muli %sub3A_360, %mul3A_361 : i32
        %add3A_363 = arith.addi %mul3A_2, %mul3A_362 : i32
        %add3A_364 = arith.constant 12 : i32
        %add3A_365 = arith.addi %add3A_363, %add3A_364 : i32
        %dma_wait3A_366 = arith.constant 3 : i32
        %dma_wait3A_367 = tpu.memref_slice %arg6[%dma_wait3A_366] : memref<4x!tpu.dma_semaphore, #tpu.memory_space<semaphore_mem>> -> memref<1x!tpu.dma_semaphore, #tpu.memory_space<semaphore_mem>>
        %dma_wait3A_368 = tpu.memref_squeeze %dma_wait3A_367 : memref<1x!tpu.dma_semaphore, #tpu.memory_space<semaphore_mem>> -> memref<!tpu.dma_semaphore, #tpu.memory_space<semaphore_mem>>
        %dma_wait3A_369 = arith.constant 0 : i32
        %dma_wait3A_370 = tpu.memref_slice %arg4[%add3A_365, %dma_wait3A_369] : memref<16384x64xf32, #tpu.memory_space<hbm>> -> memref<4x64xf32, #tpu.memory_space<hbm>>
        %dma_wait3A_371 = arith.constant 0 : i32
        %dma_wait3A_372 = arith.constant 0 : i32
        %dma_wait3A_373 = tpu.memref_slice %arg2[%dma_wait3A_371, %dma_wait3A_372] : memref<1000000x64xf32, #tpu.memory_space<hbm>> -> memref<4x64xf32, #tpu.memory_space<hbm>>
        tpu.wait_dma2 semaphore(%dma_wait3A_368 : memref<!tpu.dma_semaphore, #tpu.memory_space<semaphore_mem>>) src(%dma_wait3A_373 : memref<4x64xf32, #tpu.memory_space<hbm>>) dst(%dma_wait3A_370 : memref<4x64xf32, #tpu.memory_space<hbm>>)
      } else {
      }
    }
    %scan3A_7 = arith.constant 32 : i32
    %add3A_8 = arith.constant 448 : i32
    %add3A_9 = arith.addi %mul3A_2, %add3A_8 : i32
    %add3A_10 = arith.constant 0 : i32
    %add3A_11 = arith.addi %add3A_9, %add3A_10 : i32
    %dma_wait3A = arith.constant 0 : i32
    %dma_wait3A_12 = tpu.memref_slice %arg6[%dma_wait3A] : memref<4x!tpu.dma_semaphore, #tpu.memory_space<semaphore_mem>> -> memref<1x!tpu.dma_semaphore, #tpu.memory_space<semaphore_mem>>
    %dma_wait3A_13 = tpu.memref_squeeze %dma_wait3A_12 : memref<1x!tpu.dma_semaphore, #tpu.memory_space<semaphore_mem>> -> memref<!tpu.dma_semaphore, #tpu.memory_space<semaphore_mem>>
    %dma_wait3A_14 = arith.constant 0 : i32
    %dma_wait3A_15 = tpu.memref_slice %arg4[%add3A_11, %dma_wait3A_14] : memref<16384x64xf32, #tpu.memory_space<hbm>> -> memref<16x64xf32, #tpu.memory_space<hbm>>
    %dma_wait3A_16 = arith.constant 0 : i32
    %dma_wait3A_17 = arith.constant 0 : i32
    %dma_wait3A_18 = tpu.memref_slice %arg2[%dma_wait3A_16, %dma_wait3A_17] : memref<1000000x64xf32, #tpu.memory_space<hbm>> -> memref<16x64xf32, #tpu.memory_space<hbm>>
    tpu.wait_dma2 semaphore(%dma_wait3A_13 : memref<!tpu.dma_semaphore, #tpu.memory_space<semaphore_mem>>) src(%dma_wait3A_18 : memref<16x64xf32, #tpu.memory_space<hbm>>) dst(%dma_wait3A_15 : memref<16x64xf32, #tpu.memory_space<hbm>>)
    %add3A_19 = arith.constant 448 : i32
    %add3A_20 = arith.addi %mul3A_2, %add3A_19 : i32
    %add3A_21 = arith.constant 16 : i32
    %add3A_22 = arith.addi %add3A_20, %add3A_21 : i32
    %dma_wait3A_23 = arith.constant 1 : i32
    %dma_wait3A_24 = tpu.memref_slice %arg6[%dma_wait3A_23] : memref<4x!tpu.dma_semaphore, #tpu.memory_space<semaphore_mem>> -> memref<1x!tpu.dma_semaphore, #tpu.memory_space<semaphore_mem>>
    %dma_wait3A_25 = tpu.memref_squeeze %dma_wait3A_24 : memref<1x!tpu.dma_semaphore, #tpu.memory_space<semaphore_mem>> -> memref<!tpu.dma_semaphore, #tpu.memory_space<semaphore_mem>>
    %dma_wait3A_26 = arith.constant 0 : i32
    %dma_wait3A_27 = tpu.memref_slice %arg4[%add3A_22, %dma_wait3A_26] : memref<16384x64xf32, #tpu.memory_space<hbm>> -> memref<16x64xf32, #tpu.memory_space<hbm>>
    %dma_wait3A_28 = arith.constant 0 : i32
    %dma_wait3A_29 = arith.constant 0 : i32
    %dma_wait3A_30 = tpu.memref_slice %arg2[%dma_wait3A_28, %dma_wait3A_29] : memref<1000000x64xf32, #tpu.memory_space<hbm>> -> memref<16x64xf32, #tpu.memory_space<hbm>>
    tpu.wait_dma2 semaphore(%dma_wait3A_25 : memref<!tpu.dma_semaphore, #tpu.memory_space<semaphore_mem>>) src(%dma_wait3A_30 : memref<16x64xf32, #tpu.memory_space<hbm>>) dst(%dma_wait3A_27 : memref<16x64xf32, #tpu.memory_space<hbm>>)
    %add3A_31 = arith.constant 448 : i32
    %add3A_32 = arith.addi %mul3A_2, %add3A_31 : i32
    %add3A_33 = arith.constant 32 : i32
    %add3A_34 = arith.addi %add3A_32, %add3A_33 : i32
    %dma_wait3A_35 = arith.constant 2 : i32
    %dma_wait3A_36 = tpu.memref_slice %arg6[%dma_wait3A_35] : memref<4x!tpu.dma_semaphore, #tpu.memory_space<semaphore_mem>> -> memref<1x!tpu.dma_semaphore, #tpu.memory_space<semaphore_mem>>
    %dma_wait3A_37 = tpu.memref_squeeze %dma_wait3A_36 : memref<1x!tpu.dma_semaphore, #tpu.memory_space<semaphore_mem>> -> memref<!tpu.dma_semaphore, #tpu.memory_space<semaphore_mem>>
    %dma_wait3A_38 = arith.constant 0 : i32
    %dma_wait3A_39 = tpu.memref_slice %arg4[%add3A_34, %dma_wait3A_38] : memref<16384x64xf32, #tpu.memory_space<hbm>> -> memref<16x64xf32, #tpu.memory_space<hbm>>
    %dma_wait3A_40 = arith.constant 0 : i32
    %dma_wait3A_41 = arith.constant 0 : i32
    %dma_wait3A_42 = tpu.memref_slice %arg2[%dma_wait3A_40, %dma_wait3A_41] : memref<1000000x64xf32, #tpu.memory_space<hbm>> -> memref<16x64xf32, #tpu.memory_space<hbm>>
    tpu.wait_dma2 semaphore(%dma_wait3A_37 : memref<!tpu.dma_semaphore, #tpu.memory_space<semaphore_mem>>) src(%dma_wait3A_42 : memref<16x64xf32, #tpu.memory_space<hbm>>) dst(%dma_wait3A_39 : memref<16x64xf32, #tpu.memory_space<hbm>>)
    %add3A_43 = arith.constant 448 : i32
    %add3A_44 = arith.addi %mul3A_2, %add3A_43 : i32
    %add3A_45 = arith.constant 48 : i32
    %add3A_46 = arith.addi %add3A_44, %add3A_45 : i32
    %dma_wait3A_47 = arith.constant 3 : i32
    %dma_wait3A_48 = tpu.memref_slice %arg6[%dma_wait3A_47] : memref<4x!tpu.dma_semaphore, #tpu.memory_space<semaphore_mem>> -> memref<1x!tpu.dma_semaphore, #tpu.memory_space<semaphore_mem>>
    %dma_wait3A_49 = tpu.memref_squeeze %dma_wait3A_48 : memref<1x!tpu.dma_semaphore, #tpu.memory_space<semaphore_mem>> -> memref<!tpu.dma_semaphore, #tpu.memory_space<semaphore_mem>>
    %dma_wait3A_50 = arith.constant 0 : i32
    %dma_wait3A_51 = tpu.memref_slice %arg4[%add3A_46, %dma_wait3A_50] : memref<16384x64xf32, #tpu.memory_space<hbm>> -> memref<16x64xf32, #tpu.memory_space<hbm>>
    %dma_wait3A_52 = arith.constant 0 : i32
    %dma_wait3A_53 = arith.constant 0 : i32
    %dma_wait3A_54 = tpu.memref_slice %arg2[%dma_wait3A_52, %dma_wait3A_53] : memref<1000000x64xf32, #tpu.memory_space<hbm>> -> memref<16x64xf32, #tpu.memory_space<hbm>>
    tpu.wait_dma2 semaphore(%dma_wait3A_49 : memref<!tpu.dma_semaphore, #tpu.memory_space<semaphore_mem>>) src(%dma_wait3A_54 : memref<16x64xf32, #tpu.memory_space<hbm>>) dst(%dma_wait3A_51 : memref<16x64xf32, #tpu.memory_space<hbm>>)
    return
  }
}

</mosaic_0001>

<sc_bundles>
// kernel: kernel.3.cloned.1.call-start
scs
__scs_entry_jumppad:
0x0: {  	(pc) =	sbr.rel $0x88, $3  }
0x1: {  	(tag) =	ssettag $0x0;
	lr =	simm.s32 $0x1  }
0x2: {  	[smem:$0x3F9F] =	sst lr;
	_ =	strace $0xD0000000  }
0x3: {  	_ = 	snop  }
0x4: {  	_ = 	snop  }
0x5: {  	_ = 	snop  }
0x6: {  	_ = 	snop  }
0x7: {  	_ = 	snop  }
__scs_overlays_trampoline_lowered:
0x8: {  	[smem:$0x3FAE] =	sst s0  }
0x9: {  	[smem:$0x3FAF] =	sst s1  }
0xa: {  	[smem:$0x3FB0] =	sst s2  }
0xb: {  	[smem:$0x3FB1] =	sst s3  }
0xc: {  	[smem:$0x3FB2] =	sst s4  }
0xd: {  	[smem:$0x3FB3] =	sst s5  }
0xe: {  	[smem:$0x3FB4] =	sst s6  }
0xf: {  	[smem:$0x3FB5] =	sst s7  }
0x10: {  	[smem:$0x3FB6] =	sst s8  }
0x11: {  	[smem:$0x3FB7] =	sst s9;
	s0 =	simm.s32 @!p0 $0x0  }
0x12: {  	s1 =	sld [smem:$0x3F9D];
	s0 =	simm.s32 @p0 $0x1  }
0x13: {  	[smem:$0x3FB8] =	sst s0;
	s0 =	simm.s32 @!p1 $0x0  }
0x14: {  	s2 =	sld [smem:$0x3F9C];
	s0 =	simm.s32 @p1 $0x1  }
0x15: {  	[smem:$0x3FB9] =	sst s0;
	s0 =	simm.s32 @!p2 $0x0  }
0x16: {  	s3 =	sld [smem:$0x3FDB];
	s0 =	simm.s32 @p2 $0x1  }
0x17: {  	s4 =	simm.s32 $0x1BF5;
	[smem:$0x3FBB] =	sst s0  }
0x18: {  	s0 =	sld [smem:$0x3F9E];
	_ =	swait.ge [sflag:s4], $0x0  }
0x19: {  	s7 =	sld [smem:$0x3F9F]  }
0x1a: {  	s8 =	sadd.s32 $0xFFFFE003, lr  }
0x1b: {  	s9 =	sadd.s32 $0xFFFFFEF7, lr;
	s5 =	simm.s32 $0xFFFFFFFF;
	p2 =	slt.u32 s8, $0xFFFFF086  }
0x1c: {  	p1 =	slt.u32 s9, $0xF7A;
	s5 =	simm.s32 @!p2 $0x0  }
0x1d: {  	s5 =	simm.s32 @p1 $0x1;
	p0 =	seq.s32 s7, s2  }
0x1e: {  	s7 =	smul.u32 @!p0 $0xF7A, s2;
	p2 =	seq.s32 @!p0 s5, $0x0  }
0x1f: {  	s9 =	smul.u32 $0xF7A, s1;
	s8 =	simm.s32 @!p0 $0x1BF5;
	p2 =	por !p2, p0  }
0x20: {  	[sflag:s8] =	ssyncset.s32 @!p0 $0xFFFFF086;
	s6 =	sadd.s32 @!p0 s3, s7;
	s7 =	simm.s32 @!p0 $0x108  }
0x21: {  	s3 =	sadd.s32 s3, s9;
	s6 =	sadd.s32 @!p0 $0x88, s6;
	s7 =	simm.s32 @p2 $0x1082  }
0x22: {  	[simem:s7], [sflag:s8] =	dma.local @!p0 [hbm:s6], $0xF7A  }
0x23: {  	s9 =	sor.u32 $0xD0000000, s2;
	s6 =	simm.s32 $0x108;
	_ =	swait.ge @!p0 [sflag:s8], $0x0  }
0x24: {  	s3 =	sadd.s32 $0x88, s3;
	s6 =	simm.s32 @!p1 $0x1082;
	[sflag:s4] =	ssyncset.s32 $0xFFFFF086  }
0x25: {  	[simem:s6], [sflag:s4] =	dma.local [hbm:s3], $0xF7A  }
0x26: {  	[smem:$0x3F9F] =	sst s1;
	(tag) =	ssettag s2;
	_ =	strace s9  }
0x27: {  	s1 =	sld [smem:$0x3FAF]  }
0x28: {  	s2 =	sld [smem:$0x3FB0]  }
0x29: {  	s4 =	sld [smem:$0x3FB2]  }
0x2a: {  	p0 =	seq.s32 s5, $0x0;
	s5 =	sld [smem:$0x3FB3]  }
0x2b: {  	s6 =	sld [smem:$0x3FB4]  }
0x2c: {  	s7 =	sld [smem:$0x3FB5]  }
0x2d: {  	s3 =	simm.s32 $0x108;
	s8 =	sld [smem:$0x3FB6]  }
0x2e: {  	s3 =	simm.s32 @!p0 $0x1082;
	s9 =	sld [smem:$0x3FB7]  }
0x2f: {  	lr =	sadd.s32 s0, s3;
	s0 =	sld [smem:$0x3FAE]  }
0x30: {  	s3 =	sld [smem:$0x3FB1]  }
0x31: {  	[smem:$0x3FBA] =	sst s10  }
0x32: {  	s10 =	sld [smem:$0x3FB8];
	_ =	sdelay $0x3  }
0x33: {  	p0 =	seq.s32 s10, $0x1;
	s10 =	sld [smem:$0x3FBA];
	_ =	sdelay $0x3  }
0x34: {  	[smem:$0x3FBA] =	sst s10  }
0x35: {  	s10 =	sld [smem:$0x3FB9];
	_ =	sdelay $0x3  }
0x36: {  	p1 =	seq.s32 s10, $0x1;
	s10 =	sld [smem:$0x3FBA];
	_ =	sdelay $0x3  }
0x37: {  	[smem:$0x3FBA] =	sst s10  }
0x38: {  	s10 =	sld [smem:$0x3FBB]  }
0x39: {  	_ = 	snop;
	(pc) =	sbr.ind lr, $3  }
0x3a: {  	_ = 	snop  }
0x3b: {  	_ = 	snop  }
0x3c: {  	p2 =	seq.s32 s10, $0x1;
	s10 =	sld [smem:$0x3FBA]  }
0x3d: {  	_ =	shalt  }
0x3e: {  	_ =	shalt  }
0x3f: {  	_ =	shalt  }
0x40: {  	_ =	shalt  }
0x41: {  	_ =	shalt  }
0x42: {  	_ =	shalt  }
0x43: {  	_ =	shalt  }
0x44: {  	_ =	shalt  }
0x45: {  	_ =	shalt  }
0x46: {  	_ =	shalt  }
0x47: {  	_ =	shalt  }
0x48: {  	_ =	shalt  }
0x49: {  	_ =	shalt  }
0x4a: {  	_ =	shalt  }
0x4b: {  	_ =	shalt  }
0x4c: {  	_ =	shalt  }
0x4d: {  	_ =	shalt  }
0x4e: {  	_ =	shalt  }
0x4f: {  	_ =	shalt  }
0x50: {  	_ =	shalt  }
0x51: {  	_ =	shalt  }
0x52: {  	_ =	shalt  }
0x53: {  	_ =	shalt  }
0x54: {  	_ =	shalt  }
0x55: {  	_ =	shalt  }
0x56: {  	_ =	shalt  }
0x57: {  	_ =	shalt  }
0x58: {  	_ =	shalt  }
0x59: {  	_ =	shalt  }
0x5a: {  	_ =	shalt  }
0x5b: {  	_ =	shalt  }
0x5c: {  	_ =	shalt  }
0x5d: {  	_ =	shalt  }
0x5e: {  	_ =	shalt  }
0x5f: {  	_ =	shalt  }
0x60: {  	_ =	shalt  }
0x61: {  	_ =	shalt  }
0x62: {  	_ =	shalt  }
0x63: {  	_ =	shalt  }
0x64: {  	_ =	shalt  }
0x65: {  	_ =	shalt  }
0x66: {  	_ =	shalt  }
0x67: {  	_ =	shalt  }
0x68: {  	_ =	shalt  }
0x69: {  	_ =	shalt  }
0x6a: {  	_ =	shalt  }
0x6b: {  	_ =	shalt  }
0x6c: {  	_ =	shalt  }
0x6d: {  	_ =	shalt  }
0x6e: {  	_ =	shalt  }
0x6f: {  	_ =	shalt  }
0x70: {  	_ =	shalt  }
0x71: {  	_ =	shalt  }
0x72: {  	_ =	shalt  }
0x73: {  	_ =	shalt  }
0x74: {  	_ =	shalt  }
0x75: {  	_ =	shalt  }
0x76: {  	_ =	shalt  }
0x77: {  	_ =	shalt  }
0x78: {  	_ =	shalt  }
0x79: {  	_ =	shalt  }
0x7a: {  	_ =	shalt  }
0x7b: {  	_ =	shalt  }
0x7c: {  	_ =	shalt  }
0x7d: {  	_ =	shalt  }
0x7e: {  	_ =	shalt  }
0x7f: {  	_ =	shalt  }
0x80: {  	_ =	shalt  }
0x81: {  	_ =	shalt  }
0x82: {  	_ =	shalt  }
0x83: {  	_ =	shalt  }
0x84: {  	_ =	shalt  }
0x85: {  	_ =	shalt  }
0x86: {  	_ =	shalt  }
0x87: {  	_ =	shalt  }
.Lfunc_end0:
.L_simem_size_0:
called_computation_lowered:
.L_overlay_start_0:
0x88: {  	s2 =	sld [smem:$0x3FD9]  }
0x89: {  	s3 =	sld [smem:$0x3FFE];
	_ =	sdelay $0x1  }
0x8a: {  	s1 =	srdreg.scid  }
0x8b: {  	s0 =	sand.u32 $0x1, s1  }
0x8c: {  	s17 =	sshll.u32 s0, $0xA;
	s2 =	sadd.s32 s3, s2  }
0x8d: {  	s2 =	sadd.s32 s2, s17  }
0x8e: {  	[smem:$0x3FC6] =	sst s2  }
0x8f: {  	_ = 	snop  }
0x90: {  	s2 =	sld [smem:$0x3FC8];
	(tm) =	ssettm $0x1  }
0x91: {  	s18 =	sld [smem:$0x3FFB];
	_ =	sdelay $0x3  }
0x92: {  	_ =	strace s18  }
0x93: {  	s3 =	sld [smem:$0x3FFC];
	_ =	sdelay $0x3  }
0x94: {  	_ =	strace s3  }
0x95: {  	s3 =	sld [smem:$0x3FFD];
	_ =	sdelay $0x3  }
0x96: {  	_ =	strace s3  }
0x97: {  	_ =	strace $0x8FFFFFFF  }
0x98: {  	s19 =	sld [smem:$0x3FDB];
	_ =	sdelay $0x1  }
0x99: {  	s4 =	simm.s32 $_scs_section_size  }
0x9a: {  	s5 =	simm.s32 $_size__tile_overlayer_lowered;
	s6 =	simm.s32 $_tile_overlayer_lowered  }
0x9b: {  	s22 =	simm.s32 $0x1BFF;
	s21 =	sshll.u32 s6, $0x1;
	s3 =	sadd.s32 s4, s19  }
0x9c: {  	s7 =	simm.s32 $0x0;
	s20 =	sshll.u32 s5, $0x1;
	s5 =	sadd.s32 s21, s3  }
0x9d: {  	[timem:s7], [sflag:s22] =	dma.local [hbm:s5], s20  }
0x9e: {  	_ =	swait.ge [sflag:s22], s20  }
0x9f: {  	s4 =	ssub.s32 $0x0, s20;
	[sflag:s22] =	ssyncset.done $0x0  }
0xa0: {  	[sflag:s22] =	ssyncadd.s32 s4;
	_ =	sdelay $0x1  }
0xa1: {  	s23 =	simm.s32 $0x1B8B  }
0xa2: {  	_ =	swait.ge [sflag:s23], $0x1  }
0xa3: {  	[sflag:s23] =	ssyncset.done $0x0  }
0xa4: {  	s25 =	simm.s32 $0x1B8E;
	s24 =	sld [smem:$0x3FFE];
	[sflag:s23] =	ssyncadd.s32 $0xFFFFFFFF  }
0xa5: {  	s26 =	simm.s32 $execute0_lowered;
	[smem:$0x3FD2] =	sst s25  }
0xa6: {  	s5 =	sshll.u32 s26, $0x1;
	_ =	strace $0x80000046;
	[dreg:$0x1] =	wrdreg $0xFFFFFFFF  }
0xa7: {  	s28 =	simm.s32 $_size_execute0_lowered;
	s3 =	sadd.s32 s3, s5;
	[dreg:$0x0] =	wrdreg $0x0  }
0xa8: {  	s5 =	sshll.u32 s28, $0x1;
	[dreg:$0x2] =	wrdreg s3  }
0xa9: {  	[dreg:$0x3] =	wrdreg s5  }
0xaa: {  	[dreg:$0x4] =	wrdreg $0xC0  }
0xab: {  	_ =	task [dreg:s7], $0x5FFFF  }
0xac: {  	[dreg:$0x1] =	wrdreg $0xFFFFFFFF  }
0xad: {  	[dreg:$0x0] =	wrdreg $0x60  }
0xae: {  	[dreg:$0x2] =	wrdreg s24  }
0xaf: {  	[dreg:$0x3] =	wrdreg s2  }
0xb0: {  	[dreg:$0x4] =	wrdreg $0x9  }
0xb1: {  	_ =	task.clear_ibuf [dreg:s7], $0x5FFFF;
	_ =	strace $0x90000046  }
0xb2: {  	s29 =	simm.s32 $0x9;
	_ =	strace $0x80000048  }
0xb3: {  	_ =	swait.ge [sflag:s29], $0x1  }
0xb4: {  	[sflag:s29] =	ssyncadd.s32 $0xFFFFFFFF  }
0xb5: {  	_ =	strace $0x90000048  }
0xb6: {  	_ =	sfence  }
0xb7: {  	s30 =	sld [smem:$0x0];
	_ =	sdelay $0x2  }
0xb8: {  	s31 =	sshll.u32 s1, $0xD;
	s1 =	sshrl.u32 s1, $0x2  }
0xb9: {  	s3 =	sand.u32 $0x4000, s31;
	s1 =	sadd.s32 s1, s30  }
0xba: {  	s0 =	sor.u32 s3, s0;
	s1 =	sshll.u32 s1, $0x11  }
0xbb: {  	s0 =	sor.u32 s1, s0  }
0xbc: {  	s0 =	sadd.s32 $0x8F2B, s0  }
0xbd: {  	[sflag:s0] =	ssyncadd.remote.s32 $0x1  }
0xbe: {  	_ =	sfence.sel $0xFFFF  }
0xbf: {  	[dreg:$0x0] =	wrdreg $0xFFFFFFFF;
	(pc) =	sbr.abs _section_cstart, $3  }
0xc0: {  	[dreg:$0x1] =	wrdreg $0xFFFFFFFF  }
0xc1: {  	_ =	task.clear_ibuf [dreg:s7], $0x2FFFF;
	_ =	strace $0x9FFFFFFF  }
0xc2: {  	(tm) =	ssettm $0x7FFFFFFF  }
0xc3: {  	_ =	shalt  }
tec
execute0_lowered:
.L_overlay_start_1:
0x0: {  	(tag) =	ssettag $0x1  }
0x1: {  	s0 =	rddreg [dreg:$0x0]  }
0x2: {  	s1 =	rddreg [dreg:$0x1];
	s2 =	simm.s32 $0x0;
	s8 =	stileid.u32  }
0x3: {  	s4 =	srdreg.scid;
	[smem:$0x7FF] =	sst s2  }
0x4: {  	s24 =	sshll.u32 s8, $0xE;
	s3 =	sadd.s32 $0x400, s0;
	s25 =	sand.u32 $0x1, s4  }
0x5: {  	s5 =	sshll.u32 s8, $0xA;
	s28 =	sshll.u32 s8, $0x6;
	_ =	strace $0x80000047  }
0x6: {  	s0 =	sadd.s32 s24, s0;
	s4 =	ssub.s32 $0x2, s25;
	s6 =	sshll.u32 s25, $0x9  }
0x7: {  	s2 =	sshll.u32 s25, $0xD;
	s29 =	sor.u32 $0x1C01, s28;
	s30 =	sor.u32 $0x1C02, s28  }
0x8: {  	s31 =	sor.u32 $0x1C03, s28;
	s7 =	sshrl.u32 s4, $0x1;
	[dreg:$0x4] =	wrdreg s29  }
0x9: {  	s5 =	sor.u32 s6, s5;
	s0 =	sadd.s32 s2, s0;
	[dreg:$0x5] =	wrdreg s31  }
0xa: {  	[dreg:$0x6] =	wrdreg s30;
	s5 =	sshrl.u32 s5, $0x3;
	s0 =	sadd.s32 $0xF42800, s0  }
0xb: {  	s4 =	ssub.s32 s4, s7;
	s1 =	sadd.s32 s1, s5;
	[dreg:$0x3] =	wrdreg s0  }
0xc: {  	s26 =	smax.u32 s4, $0x1;
	[dreg:$0xf] =	wrdreg s1  }
0xd: {  	s22 =	sor.u32 $0x1C04, s28;
	s2 =	simm.s32 $0x0;
	[dreg:$0x10] =	wrdreg s26  }
.LBB2_1:
0xe: {  	[dreg:$0x11] =	wrdreg s2  }
0xf: {  	s0 =	simm.s32 $0x0;
	s1 =	rddreg [dreg:$0xf];
	s10 =	simm.s32 $0x5  }
0x10: {  	[tilespmem:s0], [sflag:$0x5] =	stream.linear.gather [hbm4b:s1+s0], $0x200, $0x38;
	[tilespmem:$0x200] =	vst v63  }
0x11: {  	_ =	swait.ge [sflag:s10], $0x200  }
0x12: {  	[sflag:s10] =	ssyncset.done $0x0  }
0x13: {  	[sflag:s10] =	ssyncadd.s32 $0xFFFFFE00  }
0x14: {  	v0 =	vld [tilespmem:s0+$0x0];
	_ =	sdelay $0x4  }
0x15: {  	v0 =	vshll.u32 v0, $0x4  }
0x16: {  	(v2sf) =	vpush v0, $0xF  }
0x17: {  	(v2sf) =	vpush v0, $0xE  }
0x18: {  	(v2sf) =	vpush v0, $0xD  }
0x19: {  	(v2sf) =	vpush v0, $0x1  }
0x1a: {  	(v2sf) =	vpush v0, $0x0  }
0x1b: {  	(v2sf) =	vpush v0, $0x5  }
0x1c: {  	(v2sf) =	vpush v0, $0xB  }
0x1d: {  	(v2sf) =	vpush v0, $0xC;
	_ =	sdelay $0x1  }
0x1e: {  	s16 =	simm.s32 $0x100;
	p0 =	por $0x1, $0x1;
	s11 =	rddreg [dreg:$0x3]  }
0x1f: {  	s9 =	simm.s32 $0x1;
	s20 =	simm.s32 @!p0 $0x1;
	s23 =	sadd.s32 $0x0, s11  }
0x20: {  	s1 =	sadd.s32 $0x10, s23;
	s25 =	sadd.s32 $0xB0, s23;
	s0 =	sadd.s32 $0x30, s23  }
0x21: {  	s12 =	sadd.s32 $0x20, s23;
	s29 =	sadd.s32 $0x70, s23;
	s31 =	sadd.s32 $0x60, s23  }
0x22: {  	s28 =	sadd.s32 $0xA0, s23;
	s13 =	sadd.s32 $0x50, s23;
	[dreg:$0x7] =	wrdreg s0  }
0x23: {  	s26 =	sadd.s32 $0xC0, s23;
	s30 =	sadd.s32 $0xF0, s23;
	[dreg:$0xa] =	wrdreg s12  }
0x24: {  	s19 =	sadd.s32 $0xE0, s23;
	[dreg:$0x9] =	wrdreg s13;
	s14 =	spop (v2sf);
	(v2sf) =	vpush v0, $0x7  }
0x25: {  	s24 =	sadd.s32 $0xD0, s23;
	[dreg:$0x8] =	wrdreg s19;
	s4 =	spop (v2sf);
	(v2sf) =	vpush v0, $0x8  }
0x26: {  	s0 =	sadd.s32 $0x40, s23;
	[dreg:$0xb] =	wrdreg s24;
	s15 =	spop (v2sf);
	(v2sf) =	vpush v0, $0x2  }
0x27: {  	s19 =	simm.s32 $0x0;
	s5 =	sand.u32 $0x1FFFFFF0, s14;
	s17 =	spop (v2sf);
	(v2sf) =	vpush v0, $0x9  }
0x28: {  	s6 =	sand.u32 $0x1FFFFFF0, s4;
	s4 =	sadd.s32 s3, s5;
	s18 =	spop (v2sf);
	(v2sf) =	vpush v0, $0x3  }
0x29: {  	s5 =	sadd.s32 $0x90, s23;
	s11 =	sand.u32 $0x1FFFFFF0, s15;
	s21 =	spop (v2sf);
	(v2sf) =	vpush v0, $0xA  }
0x2a: {  	s12 =	sand.u32 $0x1FFFFFF0, s17;
	s7 =	sand.u32 $0x1FFFFFF0, s18;
	(v2sf) =	vpush v0, $0x4;
	s13 =	spop (v2sf)  }
0x2b: {  	s14 =	sand.u32 $0x1FFFFFF0, s21;
	(v2sf) =	vpush v0, $0x6;
	s13 =	sand.u32 $0x1FFFFFF0, s13;
	s15 =	spop (v2sf)  }
.LBB2_2:
0x2c: {  	_ =	sdelay $0x5  }
0x2d: {  	[dreg:$0xc] =	wrdreg s9;
	s2 =	sadd.s32 $0x80, s23  }
0x2e: {  	s18 =	sadd.s32 s3, s6;
	s7 =	sadd.s32 s3, s7;
	s21 =	spop (v2sf)  }
0x2f: {  	s15 =	sand.u32 $0x1FFFFFF0, s15;
	s13 =	sadd.s32 s3, s13;
	s10 =	spop (v2sf)  }
0x30: {  	s8 =	smov.u32 s4;
	[dreg:$0xd] =	wrdreg s18;
	s18 =	spop (v2sf)  }
0x31: {  	s4 =	smov.u32 s28;
	s9 =	sand.u32 $0x1FFFFFF0, s21;
	s21 =	spop (v2sf)  }
0x32: {  	s28 =	smov.u32 s22;
	s14 =	sadd.s32 s3, s14;
	s24 =	spop (v2sf)  }
0x33: {  	s6 =	smov.u32 s30;
	s22 =	sand.u32 $0x1FFFFFF0, s24;
	s24 =	spop (v2sf)  }
0x34: {  	s30 =	smov.u32 s25;
	[dreg:$0xe] =	wrdreg s2;
	s2 =	spop (v2sf)  }
0x35: {  	s25 =	sand.u32 $0x1FFFFFF0, s2;
	s2 =	smov.u32 s26;
	s17 =	spop (v2sf)  }
0x36: {  	s26 =	sand.u32 $0x1FFFFFF0, s17;
	s17 =	smov.u32 s29;
	s29 =	rddreg [dreg:$0x4]  }
0x37: {  	[hbm:s23], [sflag:s29] =	dma.local [hbm:s7], $0x10  }
0x38: {  	s12 =	sadd.s32 s3, s12;
	s15 =	sadd.s32 s3, s15;
	s23 =	rddreg [dreg:$0x6]  }
0x39: {  	[hbm:s1], [sflag:s23] =	dma.local [hbm:s12], $0x10  }
0x3a: {  	s10 =	sand.u32 $0x1FFFFFF0, s10;
	s18 =	sand.u32 $0x1FFFFFF0, s18;
	s7 =	rddreg [dreg:$0x5]  }
0x3b: {  	s9 =	sadd.s32 s3, s9;
	s18 =	sadd.s32 s3, s18;
	s1 =	rddreg [dreg:$0xa]  }
0x3c: {  	[hbm:s1], [sflag:s7] =	dma.local [hbm:s18], $0x10  }
0x3d: {  	s22 =	sadd.s32 s3, s22;
	s25 =	sadd.s32 s3, s25;
	s18 =	rddreg [dreg:$0x7]  }
0x3e: {  	[hbm:s18], [sflag:s28] =	dma.local [hbm:s22], $0x10  }
0x3f: {  	[hbm:s0], [sflag:s29] =	dma.local [hbm:s25], $0x10  }
0x40: {  	s10 =	sadd.s32 s3, s10;
	s26 =	sadd.s32 s3, s26;
	s0 =	rddreg [dreg:$0x9]  }
0x41: {  	[hbm:s0], [sflag:s23] =	dma.local [hbm:s14], $0x10  }
0x42: {  	[hbm:s31], [sflag:s7] =	dma.local [hbm:s26], $0x10  }
0x43: {  	[hbm:s17], [sflag:s28] =	dma.local [hbm:s9], $0x10  }
0x44: {  	s21 =	sand.u32 $0x1FFFFFF0, s21;
	s24 =	sand.u32 $0x1FFFFFF0, s24;
	s9 =	rddreg [dreg:$0xc]  }
0x45: {  	s21 =	sadd.s32 s3, s21;
	s24 =	sadd.s32 s3, s24;
	s26 =	rddreg [dreg:$0xe]  }
0x46: {  	[hbm:s26], [sflag:s29] =	dma.local [hbm:s10], $0x10  }
0x47: {  	[hbm:s5], [sflag:s23] =	dma.local [hbm:s21], $0x10  }
0x48: {  	[hbm:s4], [sflag:s7] =	dma.local [hbm:s24], $0x10  }
0x49: {  	[hbm:s30], [sflag:s28] =	dma.local [hbm:s13], $0x10  }
0x4a: {  	[hbm:s2], [sflag:s29] =	dma.local [hbm:s15], $0x10  }
0x4b: {  	s11 =	sadd.s32 s3, s11;
	s1 =	rddreg [dreg:$0xb]  }
0x4c: {  	[hbm:s1], [sflag:s23] =	dma.local [hbm:s11], $0x10  }
0x4d: {  	s0 =	rddreg [dreg:$0x8]  }
0x4e: {  	s2 =	rddreg [dreg:$0xd]  }
0x4f: {  	[hbm:s0], [sflag:s7] =	dma.local [hbm:s2], $0x10  }
0x50: {  	[hbm:s6], [sflag:s28] =	dma.local [hbm:s8], $0x10  }
0x51: {  	_ =	swait.ge @!p0 [sflag:s20], $0x40  }
0x52: {  	[sflag:s20] =	ssyncset.done @!p0 $0x0  }
0x53: {  	s1 =	simm.s32 @!p0 $0x2;
	[sflag:s20] =	ssyncadd.s32 @!p0 $0xFFFFFFC0  }
0x54: {  	_ =	swait.ge @!p0 [sflag:s1], $0x40  }
0x55: {  	[sflag:s1] =	ssyncset.done @!p0 $0x0  }
0x56: {  	[sflag:s1] =	ssyncadd.s32 @!p0 $0xFFFFFFC0;
	s1 =	simm.s32 @!p0 $0x3  }
0x57: {  	_ =	swait.ge @!p0 [sflag:s1], $0x40  }
0x58: {  	[sflag:s1] =	ssyncset.done @!p0 $0x0  }
0x59: {  	[sflag:s1] =	ssyncadd.s32 @!p0 $0xFFFFFFC0;
	s1 =	simm.s32 @!p0 $0x4  }
0x5a: {  	_ =	swait.ge @!p0 [sflag:s1], $0x40  }
0x5b: {  	[sflag:s1] =	ssyncset.done @!p0 $0x0  }
0x5c: {  	s19 =	sadd.s32 $0x10, s19;
	[sflag:s1] =	ssyncadd.s32 @!p0 $0xFFFFFFC0  }
0x5d: {  	v0 =	vld [tilespmem:s19+$0x0];
	_ =	sdelay $0x4  }
0x5e: {  	v0 =	vshll.u32 v0, $0x4  }
0x5f: {  	(v2sf) =	vpush v0, $0xF  }
0x60: {  	(v2sf) =	vpush v0, $0xE  }
0x61: {  	(v2sf) =	vpush v0, $0xD  }
0x62: {  	(v2sf) =	vpush v0, $0x1  }
0x63: {  	(v2sf) =	vpush v0, $0x0  }
0x64: {  	(v2sf) =	vpush v0, $0x5  }
0x65: {  	(v2sf) =	vpush v0, $0xB  }
0x66: {  	(v2sf) =	vpush v0, $0xC  }
0x67: {  	s4 =	smov.u32 s16;
	s16 =	sadd.s32 $0x100, s16;
	s5 =	rddreg [dreg:$0x3]  }
0x68: {  	s22 =	smov.u32 s28;
	p1 =	sne.s32 s16, $0x2000;
	s23 =	sadd.s32 s4, s5  }
0x69: {  	p0 =	slt.u32 s9, $0x4;
	s9 =	sadd.s32 $0x1, s9;
	s1 =	sadd.s32 $0x10, s23  }
0x6a: {  	s25 =	sadd.s32 $0xB0, s23;
	s0 =	sadd.s32 $0x30, s23;
	s6 =	sadd.s32 $0x20, s23  }
0x6b: {  	s29 =	sadd.s32 $0x70, s23;
	s31 =	sadd.s32 $0x60, s23;
	s28 =	sadd.s32 $0xA0, s23  }
0x6c: {  	s7 =	sadd.s32 $0x50, s23;
	s26 =	sadd.s32 $0xC0, s23;
	[dreg:$0x7] =	wrdreg s0  }
0x6d: {  	s20 =	simm.s32 @!p0 $0x1;
	s30 =	sadd.s32 $0xF0, s23;
	[dreg:$0xa] =	wrdreg s6  }
0x6e: {  	s15 =	sadd.s32 $0xE0, s23;
	[dreg:$0x9] =	wrdreg s7;
	(v2sf) =	vpush v0, $0x7;
	s8 =	spop (v2sf)  }
0x6f: {  	s18 =	sadd.s32 $0xD0, s23;
	[dreg:$0x8] =	wrdreg s15;
	(v2sf) =	vpush v0, $0x8;
	s12 =	spop (v2sf)  }
0x70: {  	s5 =	sadd.s32 $0x90, s23;
	[dreg:$0xb] =	wrdreg s18;
	(v2sf) =	vpush v0, $0x2;
	s13 =	spop (v2sf)  }
.Ltmp0:
0x71: {  	s0 =	sadd.s32 $0x40, s23;
	(v2sf) =	vpush v0, $0x9;
	s14 =	spop (v2sf);
	(pc) =	sbr.rel @p1 .LBB2_2-.Ltmp0, $4  }
0x72: {  	(v2sf) =	vpush v0, $0x3;
	s10 =	sand.u32 $0x1FFFFFF0, s8;
	s6 =	sand.u32 $0x1FFFFFF0, s12;
	s17 =	spop (v2sf)  }
0x73: {  	(v2sf) =	vpush v0, $0xA;
	s4 =	sadd.s32 s3, s10;
	s11 =	sand.u32 $0x1FFFFFF0, s13;
	s21 =	spop (v2sf)  }
0x74: {  	(v2sf) =	vpush v0, $0x4;
	s12 =	sand.u32 $0x1FFFFFF0, s14;
	s7 =	sand.u32 $0x1FFFFFF0, s17;
	s24 =	spop (v2sf)  }
0x75: {  	(v2sf) =	vpush v0, $0x6;
	s14 =	sand.u32 $0x1FFFFFF0, s21;
	s13 =	sand.u32 $0x1FFFFFF0, s24;
	s15 =	spop (v2sf)  }
0x76: {  	_ =	sdelay $0x6  }
0x77: {  	s8 =	spop (v2sf)  }
0x78: {  	s9 =	spop (v2sf)  }
0x79: {  	s10 =	spop (v2sf)  }
0x7a: {  	s16 =	spop (v2sf)  }
0x7b: {  	s17 =	spop (v2sf)  }
0x7c: {  	s18 =	spop (v2sf)  }
0x7d: {  	s19 =	spop (v2sf)  }
0x7e: {  	s7 =	sadd.s32 s3, s7;
	s24 =	rddreg [dreg:$0x4];
	s21 =	spop (v2sf)  }
0x7f: {  	[hbm:s23], [sflag:s24] =	dma.local [hbm:s7], $0x10  }
0x80: {  	s2 =	sadd.s32 s3, s12;
	s10 =	sand.u32 $0x1FFFFFF0, s10;
	s12 =	rddreg [dreg:$0x6]  }
0x81: {  	[hbm:s1], [sflag:s12] =	dma.local [hbm:s2], $0x10  }
0x82: {  	s7 =	sadd.s32 s3, s10;
	s10 =	rddreg [dreg:$0x5]  }
0x83: {  	s17 =	sand.u32 $0x1FFFFFF0, s17;
	s1 =	rddreg [dreg:$0xa]  }
0x84: {  	[hbm:s1], [sflag:s10] =	dma.local [hbm:s7], $0x10  }
0x85: {  	s19 =	sand.u32 $0x1FFFFFF0, s19;
	s1 =	sadd.s32 s3, s17;
	s2 =	rddreg [dreg:$0x7]  }
0x86: {  	[hbm:s2], [sflag:s22] =	dma.local [hbm:s1], $0x10  }
0x87: {  	s1 =	sadd.s32 s3, s19  }
0x88: {  	[hbm:s0], [sflag:s24] =	dma.local [hbm:s1], $0x10  }
0x89: {  	s7 =	sand.u32 $0x1FFFFFF0, s21;
	s2 =	sadd.s32 s3, s14;
	s0 =	rddreg [dreg:$0x9]  }
0x8a: {  	[hbm:s0], [sflag:s12] =	dma.local [hbm:s2], $0x10  }
0x8b: {  	s8 =	sand.u32 $0x1FFFFFF0, s8;
	s0 =	sadd.s32 s3, s7  }
0x8c: {  	[hbm:s31], [sflag:s10] =	dma.local [hbm:s0], $0x10  }
0x8d: {  	s9 =	sand.u32 $0x1FFFFFF0, s9;
	s0 =	sadd.s32 s3, s8  }
0x8e: {  	[hbm:s29], [sflag:s22] =	dma.local [hbm:s0], $0x10  }
0x8f: {  	s16 =	sand.u32 $0x1FFFFFF0, s16;
	s14 =	sadd.s32 $0x80, s23;
	s0 =	sadd.s32 s3, s9  }
0x90: {  	[hbm:s14], [sflag:s24] =	dma.local [hbm:s0], $0x10  }
0x91: {  	s17 =	sand.u32 $0x1FFFFFF0, s18;
	s0 =	sadd.s32 s3, s16  }
0x92: {  	[hbm:s5], [sflag:s12] =	dma.local [hbm:s0], $0x10  }
0x93: {  	s19 =	sand.u32 $0x1FFFFFF0, s15;
	s0 =	sadd.s32 s3, s17  }
0x94: {  	[hbm:s28], [sflag:s10] =	dma.local [hbm:s0], $0x10  }
0x95: {  	s18 =	sadd.s32 s3, s13;
	s0 =	sadd.s32 s3, s19  }
0x96: {  	[hbm:s25], [sflag:s22] =	dma.local [hbm:s18], $0x10  }
0x97: {  	[hbm:s26], [sflag:s24] =	dma.local [hbm:s0], $0x10  }
0x98: {  	s21 =	sadd.s32 s3, s11;
	s23 =	rddreg [dreg:$0xb]  }
0x99: {  	[hbm:s23], [sflag:s12] =	dma.local [hbm:s21], $0x10  }
0x9a: {  	s24 =	sadd.s32 s3, s6;
	s1 =	rddreg [dreg:$0x8]  }
0x9b: {  	[hbm:s1], [sflag:s10] =	dma.local [hbm:s24], $0x10  }
0x9c: {  	[hbm:s30], [sflag:s22] =	dma.local [hbm:s4], $0x10  }
0x9d: {  	_ =	swait.ge @!p0 [sflag:s20], $0x40  }
0x9e: {  	[sflag:s20] =	ssyncset.done @!p0 $0x0  }
0x9f: {  	s0 =	simm.s32 @!p0 $0x2;
	[sflag:s20] =	ssyncadd.s32 @!p0 $0xFFFFFFC0  }
0xa0: {  	_ =	swait.ge @!p0 [sflag:s0], $0x40  }
0xa1: {  	[sflag:s0] =	ssyncset.done @!p0 $0x0  }
0xa2: {  	[sflag:s0] =	ssyncadd.s32 @!p0 $0xFFFFFFC0;
	s0 =	simm.s32 @!p0 $0x3  }
0xa3: {  	_ =	swait.ge @!p0 [sflag:s0], $0x40  }
0xa4: {  	[sflag:s0] =	ssyncset.done @!p0 $0x0  }
0xa5: {  	[sflag:s0] =	ssyncadd.s32 @!p0 $0xFFFFFFC0;
	s0 =	simm.s32 @!p0 $0x4  }
0xa6: {  	_ =	swait.ge @!p0 [sflag:s0], $0x40  }
0xa7: {  	[sflag:s0] =	ssyncset.done @!p0 $0x0  }
0xa8: {  	s25 =	simm.s32 $0x1;
	[sflag:s0] =	ssyncadd.s32 @!p0 $0xFFFFFFC0  }
0xa9: {  	_ =	swait.ge [sflag:s25], $0x100  }
0xaa: {  	[sflag:s25] =	ssyncset.done $0x0  }
0xab: {  	s26 =	simm.s32 $0x2;
	[sflag:s25] =	ssyncadd.s32 $0xFFFFFF00  }
0xac: {  	_ =	swait.ge [sflag:s26], $0x100  }
0xad: {  	[sflag:s26] =	ssyncset.done $0x0  }
0xae: {  	s28 =	simm.s32 $0x3;
	[sflag:s26] =	ssyncadd.s32 $0xFFFFFF00  }
0xaf: {  	_ =	swait.ge [sflag:s28], $0x100  }
0xb0: {  	[sflag:s28] =	ssyncset.done $0x0  }
0xb1: {  	s29 =	simm.s32 $0x4;
	[sflag:s28] =	ssyncadd.s32 $0xFFFFFF00  }
0xb2: {  	_ =	swait.ge [sflag:s29], $0x100  }
0xb3: {  	s30 =	rddreg [dreg:$0x11]  }
0xb4: {  	s31 =	rddreg [dreg:$0x10];
	s2 =	sadd.s32 $0x1, s30  }
0xb5: {  	p0 =	sne.s32 s2, s31  }
.Ltmp1:
0xb6: {  	_ = 	snop;
	(pc) =	sbr.rel @p0 .LBB2_1-.Ltmp1, $3  }
0xb7: {  	_ =	sdelay $0x1  }
0xb8: {  	[sflag:s29] =	ssyncset.done $0x0  }
0xb9: {  	[sflag:s29] =	ssyncadd.s32 $0xFFFFFF00  }
0xba: {  	_ =	sfence.sel $0x180000  }
0xbb: {  	[bflag:$0x0] =	sbarrier.arrive $0xFFFF  }
0xbc: {  	_ =	strace $0x90000047  }
0xbd: {  	s0 =	stileid.u32;
	[bflag:$0x2] =	sbarrier.arrive $0xFFFF  }
0xbe: {  	p0 =	sne.s32 s0, $0x0;
	s0 =	rddreg [dreg:$0x2]  }
0xbf: {  	s0 =	sadd.s32 @!p0 $0x100000, s0  }
0xc0: {  	[sflag:s0] =	ssyncadd.tile.s32 @!p0 $0x1;
	_ =	shalt  }
.Lfunc_end2:
_tile_overlayer_lowered:
.L_overlay_start_2:
0xc1: {  	(tag) =	ssettag $0x2  }
0xc2: {  	s0 =	rddreg [dreg:$0x0];
	s2 =	stileid.u32  }
0xc3: {  	s1 =	rddreg [dreg:$0x1];
	p0 =	sne.s32 s2, $0x0  }
0xc4: {  	s3 =	rddreg [dreg:$0x2];
	[bflag:$0x3] =	sbarrier.arrive $0xFFFF;
	s2 =	simm.s32 @!p0 $0x1C05  }
0xc5: {  	[timem:s3], [sflag:s2] =	dma.local @!p0 [hbm:s0], s1  }
0xc6: {  	s0 =	simm.s32 @!p0 $0x5  }
0xc7: {  	_ =	swait.ge @!p0 [sflag:s0], s1  }
0xc8: {  	s1 =	ssub.s32 @!p0 $0x0, s1;
	[sflag:s0] =	ssyncset.done @!p0 $0x0  }
0xc9: {  	[sflag:s0] =	ssyncadd.s32 @!p0 s1  }
0xca: {  	[bflag:$0x3] =	sbarrier.arrive $0xFFFF  }
0xcb: {  	_ =	shalt  }

</sc_bundles>
